<compile_context>
chip_gen: v7x
topology: tpu7x:2x2x1
jax: 0.10.2.dev20260603
libtpu: 0.0.44.dev20260713+nightly
codegen_flags: <defaults>
</compile_context>

<pallas_src>
import functools

import jax
import jax.numpy as jnp
from jax.experimental import pallas as pl
from jax.experimental.pallas import tpu as pltpu
from jax.experimental.pallas import tpu_sc as plsc

N = 100
E = 4000
K = 50
F1 = 64
F2 = 20
NEG = 0.01

_HI = jax.lax.Precision.HIGHEST
_DEF = jax.lax.Precision.DEFAULT


def _dot(a, b, prec=_HI):
    return jax.lax.dot_general(a, b, (((1,), (0,)), ((), ())),
                               preferred_element_type=jnp.float32,
                               precision=prec)


def _dotd(a, b):
    return _dot(a, b, _DEF)


def _dotT0(a, b, prec=_HI):
    return jax.lax.dot_general(a, b, (((0,), (0,)), ((), ())),
                               preferred_element_type=jnp.float32,
                               precision=prec)


def _dotT1(a, b, prec=_HI):
    return jax.lax.dot_general(a, b, (((1,), (1,)), ((), ())),
                               preferred_element_type=jnp.float32,
                               precision=prec)


def _smax(z):
    m = jnp.max(z, axis=1, keepdims=True)
    e = jnp.exp(z - m)
    return e / jnp.sum(e, axis=1, keepdims=True)


def _leaky(z):
    return jnp.where(z >= 0, z, NEG * z)


_NP = 128
_RPT = 4
_SC_CORES = 2
_SC_SUBCORES = 16
_LANE = 16


def _sc_build(ei_hbm, w_hbm, a_hbm, b_hbm, row_v, col_v, w_v, accA, accB):
    wid = jax.lax.axis_index("s") * _SC_CORES + jax.lax.axis_index("c")
    base = wid * _RPT
    pltpu.sync_copy(ei_hbm.at[0], row_v)
    pltpu.sync_copy(ei_hbm.at[1], col_v)
    pltpu.sync_copy(w_hbm, w_v)
    zeros16 = jnp.zeros((_LANE,), jnp.float32)
    for j in range(_RPT * _NP // _LANE):
        accA[pl.ds(j * _LANE, _LANE)] = zeros16
        accB[pl.ds(j * _LANE, _LANE)] = zeros16
    ones16 = jnp.ones((_LANE,), jnp.float32)

    @plsc.parallel_loop(0, E // _LANE)
    def _edge_chunk(i):
        sl = pl.ds(i * _LANE, _LANE)
        row = row_v[sl]
        col = col_v[sl]
        w = w_v[sl]
        rel = col - base
        mask = (rel >= 0) & (rel < _RPT)
        lin = jnp.clip(rel, 0, _RPT - 1) * _NP + row
        plsc.addupdate_scatter(accA, [lin], jnp.where(mask, w, 0.0))
        plsc.addupdate_scatter(accB, [lin], jnp.where(mask, ones16, 0.0))

    pltpu.sync_copy(accA, a_hbm.at[pl.ds(base * _NP, _RPT * _NP)])
    pltpu.sync_copy(accB, b_hbm.at[pl.ds(base * _NP, _RPT * _NP)])


def _mega(a_ref, b_ref, x_ref,
          wl1_ref, bl1_ref, wr1_ref, br1_ref,
          wl2_ref, bl2_ref, wr2_ref, br2_ref,
          wg1_ref, bg1_ref, wrel_ref, brel_ref, wroot_ref,
          wc0_ref, wc1_ref, wc2_ref, bc_ref,
          out_ref):
    f32 = jnp.float32
    i32 = jnp.int32

    iN_r = jax.lax.broadcasted_iota(i32, (N, N), 0)
    iN_c = jax.lax.broadcasted_iota(i32, (N, N), 1)
    eyeN = (iN_r == iN_c).astype(f32)

    A_g = a_ref[0:N, 0:N]
    B = b_ref[0:N, 0:N]

    maskL = ((iN_r < K) & (iN_c < K)).astype(f32)
    maskR = ((iN_r >= K) & (iN_c >= K)).astype(f32)

    def norm_mat(A):
        deg = jnp.sum(A, axis=1, keepdims=True) + 1.0
        dis = jax.lax.rsqrt(deg)
        return _dot(dis * A, eyeN * dis) + eyeN * (1.0 / deg)

    M_l = norm_mat(A_g * maskL)
    M_r = norm_mat(A_g * maskR)
    M_g = norm_mat(A_g)

    x = x_ref[...]
    rowmask = jax.lax.broadcasted_iota(i32, (N, 1), 0) < K

    hl = _leaky(_dot(M_l, _dotd(x, wl1_ref[...])) + bl1_ref[...])
    hr = _leaky(_dot(M_r, _dotd(x, wr1_ref[...])) + br1_ref[...])
    h1 = jnp.where(rowmask, hl, hr)

    hl2 = _leaky(_dot(M_l, _dotd(h1, wl2_ref[...])) + bl2_ref[...])
    hr2 = _leaky(_dot(M_r, _dotd(h1, wr2_ref[...])) + br2_ref[...])
    h2c = jnp.where(rowmask, hl2, hr2)

    h2 = _leaky(_dot(M_g, _dotd(h2c, wg1_ref[...])) + bg1_ref[...])

    agg = _dot(B, h2)
    score = jnp.tanh(_dotd(agg, wrel_ref[...]) + brel_ref[...]
                     + _dotd(h2, wroot_ref[...]))

    ones1N = jnp.ones((1, N), f32)
    scoreT = _dot(ones1N, eyeN * score)

    beats = (scoreT > score) | ((scoreT == score) & (iN_c < iN_r))
    rank = jnp.sum(beats.astype(f32), axis=1, keepdims=True)
    rankT = _dot(ones1N, eyeN * rank)
    rank_i = rank.astype(i32)
    rankT_i = rankT.astype(i32)

    P = (rankT_i == jax.lax.broadcasted_iota(i32, (K, N), 0)).astype(f32)
    PT = (rank_i == jax.lax.broadcasted_iota(i32, (N, K), 1)).astype(f32)

    vals = _dot(P, score)
    x_pool = _dot(P, h2) * vals

    B_pool = _dot(_dot(P, B), PT)
    degch = jnp.sum(B_pool, axis=1, keepdims=True)
    pos_deg = degch > 0
    dch = jnp.where(pos_deg, jax.lax.rsqrt(jnp.where(pos_deg, degch, 1.0)), 0.0)
    iK_r = jax.lax.broadcasted_iota(i32, (K, K), 0)
    iK_c = jax.lax.broadcasted_iota(i32, (K, K), 1)
    eyeK = (iK_r == iK_c).astype(f32)
    M_ch = -_dot(dch * B_pool, eyeK * dch)

    topKN = (jax.lax.broadcasted_iota(i32, (K, N), 0)
             == jax.lax.broadcasted_iota(i32, (K, N), 1)).astype(f32)
    Etop = (jax.lax.broadcasted_iota(i32, (N, K), 0)
            == jax.lax.broadcasted_iota(i32, (N, K), 1)).astype(f32)
    h2top = _dot(topKN, h2)
    tx1t = _dot(M_ch, h2top)
    Tx1 = _dot(Etop, tx1t)
    Tx2 = 2.0 * _dot(Etop, _dot(M_ch, tx1t)) - h2
    cheb = (_dotd(h2, wc0_ref[...]) + _dotd(Tx1, wc1_ref[...])
            + _dotd(Tx2, wc2_ref[...]) + bc_ref[...])

    ass = _smax(cheb)
    s = _smax(ass)

    H_coarse = _dotT0(s, h2, _DEF)

    keptT = (rankT_i < K).astype(f32)
    le = (iN_r <= iN_c).astype(f32)
    posT = _dot(keptT, le)
    pos0T = posT.astype(i32) - 1
    Psort = ((pos0T == jax.lax.broadcasted_iota(i32, (K, N), 0))
             & (rankT_i < K)).astype(f32)
    inter = _dot(Psort, ass)

    out_ref[...] = x_pool + _dotd(inter, H_coarse)


def kernel(x, edge_index, edge_attr, adj, W_l1, b_l1, W_r1, b_r1, W_l2, b_l2,
           W_r2, b_r2, W_g1, b_g1, W_rel, b_rel, W_root, W_c0, W_c1, W_c2, b_c):
    del adj
    sc_builder = functools.partial(
        pl.kernel,
        mesh=plsc.VectorSubcoreMesh(core_axis_name="c", subcore_axis_name="s"),
        compiler_params=pltpu.CompilerParams(needs_layout_passes=False),
        out_type=[jax.ShapeDtypeStruct((_NP * _NP,), jnp.float32),
                  jax.ShapeDtypeStruct((_NP * _NP,), jnp.float32)],
        scratch_types=[pltpu.VMEM((E,), jnp.int32),
                       pltpu.VMEM((E,), jnp.int32),
                       pltpu.VMEM((E,), jnp.float32),
                       pltpu.VMEM((_RPT * _NP,), jnp.float32),
                       pltpu.VMEM((_RPT * _NP,), jnp.float32)],
    )(_sc_build)
    A_flat, B_flat = sc_builder(edge_index, edge_attr)
    A_pad = A_flat.reshape(_NP, _NP)
    B_pad = B_flat.reshape(_NP, _NP)
    out = pl.pallas_call(
        _mega,
        out_shape=jax.ShapeDtypeStruct((K, F2), jnp.float32),
    )(A_pad, B_pad, x,
      W_l1, b_l1.reshape(1, F1), W_r1, b_r1.reshape(1, F1),
      W_l2, b_l2.reshape(1, F2), W_r2, b_r2.reshape(1, F2),
      W_g1, b_g1.reshape(1, F2), W_rel, b_rel.reshape(1, 1), W_root,
      W_c0, W_c1, W_c2, b_c.reshape(1, K))
    return out.reshape(1, -1)

# --- scband reference (transcript-rebuilt; emitter-appended) ---
"""Pipeline reference for scband-brain-connectomic-graph-12317966205115 (READ-ONLY COPY).

The authoritative reference and input builder live on the scoring server;
editing this copy changes nothing except your own understanding.
"""

import jax, jax.numpy as jnp
import numpy as np

N = 100
E = 4000
KPOOL = 50   # ceil(opt.k1 * 100), opt.k1 = 0.5 (SAGPooling ratio)
NCLUST = 50  # int(opt.k2 * 100), opt.k2 = 0.5 (ChebConv out / diffpool clusters)
NEG_SLOPE = 0.01


def _glorot(k, shape):
    lim = float(np.sqrt(6.0 / (shape[0] + shape[1])))
    return jax.random.uniform(k, shape, jnp.float32, -lim, lim)


def setup_inputs(seed: int = 0):
    key = jax.random.key(seed)
    ks = jax.random.split(key, 24)
    inp = {}
    inp['x'] = jax.random.normal(ks[0], (N, N), dtype=jnp.float32)
    inp['edge_index'] = jax.random.randint(ks[1], (2, E), 0, N, dtype=jnp.int32)
    inp['edge_attr'] = jax.random.uniform(ks[2], (E,), dtype=jnp.float32)
    inp['adj'] = jax.random.uniform(ks[3], (N, N), dtype=jnp.float32)
    inp['W_l1'] = _glorot(ks[4], (100, 64)); inp['b_l1'] = jnp.zeros((64,), jnp.float32)
    inp['W_r1'] = _glorot(ks[5], (100, 64)); inp['b_r1'] = jnp.zeros((64,), jnp.float32)
    inp['W_l2'] = _glorot(ks[6], (64, 20)); inp['b_l2'] = jnp.zeros((20,), jnp.float32)
    inp['W_r2'] = _glorot(ks[7], (64, 20)); inp['b_r2'] = jnp.zeros((20,), jnp.float32)
    inp['W_g1'] = _glorot(ks[8], (20, 20)); inp['b_g1'] = jnp.zeros((20,), jnp.float32)
    inp['W_rel'] = _glorot(ks[9], (20, 1)); inp['b_rel'] = jnp.zeros((1,), jnp.float32)
    inp['W_root'] = _glorot(ks[10], (20, 1))
    inp['W_c0'] = _glorot(ks[11], (20, NCLUST))
    inp['W_c1'] = _glorot(ks[12], (20, NCLUST))
    inp['W_c2'] = _glorot(ks[13], (20, NCLUST))
    inp['b_c'] = jnp.zeros((NCLUST,), jnp.float32)
    return inp


def _gcn(x, W, b, row, col, ew, n):
    # PyG GCNConv with edge_weight: add self-loops (w=1), sym norm, scatter-add to dst
    xw = x @ W
    loop = jnp.arange(n, dtype=row.dtype)
    r = jnp.concatenate([row, loop]); c = jnp.concatenate([col, loop])
    w = jnp.concatenate([ew, jnp.ones((n,), xw.dtype)])
    deg = jnp.zeros((n,), xw.dtype).at[c].add(w)
    dis = jnp.where(deg > 0, jax.lax.rsqrt(jnp.where(deg > 0, deg, 1.0)), 0.0)
    norm = dis[r] * w * dis[c]
    return jnp.zeros_like(xw).at[c].add(xw[r] * norm[:, None]) + b


def _forward(x, edge_attr, adj, W_l1, b_l1, W_r1, b_r1, W_l2, b_l2, W_r2, b_r2,
             W_g1, b_g1, W_rel, b_rel, W_root, W_c0, W_c1, W_c2, b_c, row, col):
    # subgraph(left)/subgraph(right) emulated by zeroing edge weights (equivalent under GCN norm)
    lm = ((row < 50) & (col < 50)).astype(x.dtype)
    rm = ((row >= 50) & (col >= 50)).astype(x.dtype)
    ew_l = edge_attr * lm
    ew_r = edge_attr * rm
    hl = jax.nn.leaky_relu(_gcn(x, W_l1, b_l1, row, col, ew_l, N), NEG_SLOPE)
    hr = jax.nn.leaky_relu(_gcn(x, W_r1, b_r1, row, col, ew_r, N), NEG_SLOPE)
    h1 = jnp.concatenate([hl[:50], hr[50:]], axis=0)
    hl2 = jax.nn.leaky_relu(_gcn(h1, W_l2, b_l2, row, col, ew_l, N), NEG_SLOPE)
    hr2 = jax.nn.leaky_relu(_gcn(h1, W_r2, b_r2, row, col, ew_r, N), NEG_SLOPE)
    h2 = jnp.concatenate([hl2[:50], hr2[50:]], axis=0)
    h2 = jax.nn.leaky_relu(_gcn(h2, W_g1, b_g1, row, col, edge_attr, N), NEG_SLOPE)
    # SAGPooling: score GNN = GraphConv(20,1) (no edge weight), nonlinearity = tanh
    agg = jnp.zeros((N, h2.shape[1]), h2.dtype).at[col].add(h2[row])
    score = jnp.tanh((agg @ W_rel + b_rel + h2 @ W_root).reshape(-1))
    vals, perm = jax.lax.top_k(score, KPOOL)
    x_pool = h2[perm] * vals[:, None]
    is_in = jnp.zeros((N,), bool).at[perm].set(True)
    inv = jnp.zeros((N,), jnp.int32).at[perm].set(jnp.arange(KPOOL, dtype=jnp.int32))
    emask = (is_in[row] & is_in[col]).astype(h2.dtype)
    prow = inv[row].astype(jnp.int32); pcol = inv[col].astype(jnp.int32)
    # ChebConv K=3, sym, lambda_max=2 => L_hat = -D^-1/2 A D^-1/2 over the pooled (relabeled)
    # edges while x still has 100 rows (faithful to the original code's quirk)
    deg = jnp.zeros((N,), h2.dtype).at[pcol].add(emask)
    dis = jnp.where(deg > 0, jax.lax.rsqrt(jnp.where(deg > 0, deg, 1.0)), 0.0)
    wch = -dis[prow] * emask * dis[pcol]
    def prop(z):
        return jnp.zeros_like(z).at[pcol].add(z[prow] * wch[:, None])
    Tx0 = h2
    Tx1 = prop(Tx0)
    Tx2 = 2.0 * prop(Tx1) - Tx0
    cheb = Tx0 @ W_c0 + Tx1 @ W_c1 + Tx2 @ W_c2 + b_c
    ass = jax.nn.softmax(cheb, axis=-1)
    # dense_diff_pool (applies its own softmax internally)
    s = jax.nn.softmax(ass, axis=-1)
    H_coarse = s.T @ h2
    _out_adj = s.T @ adj @ s
    _link_loss = jnp.linalg.norm(adj - s @ s.T) / adj.size
    _ent_loss = jnp.mean(jnp.sum(-s * jnp.log(s + 1e-15), axis=-1))
    inter = ass[jnp.sort(perm)]  # rows of ass at kept node ids, in ascending id order
    H1 = inter @ H_coarse
    H2 = x_pool + H1
    return H2.reshape(1, -1)


def reference(x, edge_index, edge_attr, adj, W_l1, b_l1, W_r1, b_r1, W_l2, b_l2,
              W_r2, b_r2, W_g1, b_g1, W_rel, b_rel, W_root, W_c0, W_c1, W_c2, b_c):
    row = edge_index[0]; col = edge_index[1]
    return _forward(x, edge_attr, adj, W_l1, b_l1, W_r1, b_r1, W_l2, b_l2, W_r2, b_r2,
                    W_g1, b_g1, W_rel, b_rel, W_root, W_c0, W_c1, W_c2, b_c, row, col)

if __name__ == "__main__":
    import jax
    _d = setup_inputs()
    print(jax.jit(kernel)(*tuple(_d.values())))

</pallas_src>

<mosaic_0001>
#map = affine_map<(d0, d1) -> (0, 0)>
#map1 = affine_map<(d0, d1) -> (0)>
module attributes {stable_mosaic.version = 14 : i64} {
  func.func @_sc_build(%arg0: i32, %arg1: i32, %arg2: memref<2x4000xi32, #tpu.memory_space<hbm>>, %arg3: memref<4000xf32, #tpu.memory_space<hbm>>, %arg4: memref<16384xf32, #tpu.memory_space<hbm>>, %arg5: memref<16384xf32, #tpu.memory_space<hbm>>, %arg6: memref<4000xi32, #tpu.memory_space<vmem>>, %arg7: memref<4000xi32, #tpu.memory_space<vmem>>, %arg8: memref<4000xf32, #tpu.memory_space<vmem>>, %arg9: memref<512xf32, #tpu.memory_space<vmem>>, %arg10: memref<512xf32, #tpu.memory_space<vmem>>) attributes {dimension_semantics = [#tpu.dimension_semantics<core_parallel>, #tpu.dimension_semantics<subcore_parallel>], iteration_bounds = array<i64: 2, 16>, scalar_prefetch = 0 : i64, scratch_operands = 5 : i64, tpu.core_type = #tpu.core_type<sc_vector_subcore>, window_params = [{transform_indices = #map}, {transform_indices = #map1}, {transform_indices = #map1}, {transform_indices = #map1}]} {
    %mul3A = arith.constant 2 : i32
    %mul3A_0 = arith.muli %arg1, %mul3A : i32
    %add3A = arith.addi %mul3A_0, %arg0 : i32
    %mul3A_1 = arith.constant 4 : i32
    %mul3A_2 = arith.muli %add3A, %mul3A_1 : i32
    %run_scoped3A = arith.constant 0 : i32
    "tpu.region"() ({
      %run_scoped3A_140 = tpu.sem_alloc : memref<!tpu.dma_semaphore, #tpu.memory_space<semaphore_mem>>
      %dma_start3A = arith.constant 0 : i32
      %dma_start3A_141 = tpu.memref_slice %arg2[%run_scoped3A, %dma_start3A] : memref<2x4000xi32, #tpu.memory_space<hbm>> -> memref<1x4000xi32, #tpu.memory_space<hbm>>
      %dma_start3A_142 = tpu.memref_squeeze %dma_start3A_141 : memref<1x4000xi32, #tpu.memory_space<hbm>> -> memref<4000xi32, #tpu.memory_space<hbm>>
      %dma_start3A_143 = arith.constant 0 : i32
      %dma_start3A_144 = tpu.memref_slice %arg2[%run_scoped3A, %dma_start3A_143] : memref<2x4000xi32, #tpu.memory_space<hbm>> -> memref<1x4000xi32, #tpu.memory_space<hbm>>
      %dma_start3A_145 = tpu.memref_squeeze %dma_start3A_144 : memref<1x4000xi32, #tpu.memory_space<hbm>> -> memref<4000xi32, #tpu.memory_space<hbm>>
      tpu.enqueue_dma source(%dma_start3A_145 : memref<4000xi32, #tpu.memory_space<hbm>>) target(%arg6 : memref<4000xi32, #tpu.memory_space<vmem>>) target_semaphore(%run_scoped3A_140 : memref<!tpu.dma_semaphore, #tpu.memory_space<semaphore_mem>>)
      %dma_wait3A = arith.constant 0 : i32
      %dma_wait3A_146 = tpu.memref_slice %arg2[%run_scoped3A, %dma_wait3A] : memref<2x4000xi32, #tpu.memory_space<hbm>> -> memref<1x4000xi32, #tpu.memory_space<hbm>>
      %dma_wait3A_147 = tpu.memref_squeeze %dma_wait3A_146 : memref<1x4000xi32, #tpu.memory_space<hbm>> -> memref<4000xi32, #tpu.memory_space<hbm>>
      %dma_wait3A_148 = arith.constant 0 : i32
      %dma_wait3A_149 = tpu.memref_slice %arg2[%run_scoped3A, %dma_wait3A_148] : memref<2x4000xi32, #tpu.memory_space<hbm>> -> memref<1x4000xi32, #tpu.memory_space<hbm>>
      %dma_wait3A_150 = tpu.memref_squeeze %dma_wait3A_149 : memref<1x4000xi32, #tpu.memory_space<hbm>> -> memref<4000xi32, #tpu.memory_space<hbm>>
      tpu.wait_dma2 semaphore(%run_scoped3A_140 : memref<!tpu.dma_semaphore, #tpu.memory_space<semaphore_mem>>) src(%dma_wait3A_150 : memref<4000xi32, #tpu.memory_space<hbm>>) dst(%arg6 : memref<4000xi32, #tpu.memory_space<vmem>>)
      tpu.yield
    }) : () -> ()
    %run_scoped3A_3 = arith.constant 1 : i32
    "tpu.region"() ({
      %run_scoped3A_140 = tpu.sem_alloc : memref<!tpu.dma_semaphore, #tpu.memory_space<semaphore_mem>>
      %dma_start3A = arith.constant 0 : i32
      %dma_start3A_141 = tpu.memref_slice %arg2[%run_scoped3A_3, %dma_start3A] : memref<2x4000xi32, #tpu.memory_space<hbm>> -> memref<1x4000xi32, #tpu.memory_space<hbm>>
      %dma_start3A_142 = tpu.memref_squeeze %dma_start3A_141 : memref<1x4000xi32, #tpu.memory_space<hbm>> -> memref<4000xi32, #tpu.memory_space<hbm>>
      %dma_start3A_143 = arith.constant 0 : i32
      %dma_start3A_144 = tpu.memref_slice %arg2[%run_scoped3A_3, %dma_start3A_143] : memref<2x4000xi32, #tpu.memory_space<hbm>> -> memref<1x4000xi32, #tpu.memory_space<hbm>>
      %dma_start3A_145 = tpu.memref_squeeze %dma_start3A_144 : memref<1x4000xi32, #tpu.memory_space<hbm>> -> memref<4000xi32, #tpu.memory_space<hbm>>
      tpu.enqueue_dma source(%dma_start3A_145 : memref<4000xi32, #tpu.memory_space<hbm>>) target(%arg7 : memref<4000xi32, #tpu.memory_space<vmem>>) target_semaphore(%run_scoped3A_140 : memref<!tpu.dma_semaphore, #tpu.memory_space<semaphore_mem>>)
      %dma_wait3A = arith.constant 0 : i32
      %dma_wait3A_146 = tpu.memref_slice %arg2[%run_scoped3A_3, %dma_wait3A] : memref<2x4000xi32, #tpu.memory_space<hbm>> -> memref<1x4000xi32, #tpu.memory_space<hbm>>
      %dma_wait3A_147 = tpu.memref_squeeze %dma_wait3A_146 : memref<1x4000xi32, #tpu.memory_space<hbm>> -> memref<4000xi32, #tpu.memory_space<hbm>>
      %dma_wait3A_148 = arith.constant 0 : i32
      %dma_wait3A_149 = tpu.memref_slice %arg2[%run_scoped3A_3, %dma_wait3A_148] : memref<2x4000xi32, #tpu.memory_space<hbm>> -> memref<1x4000xi32, #tpu.memory_space<hbm>>
      %dma_wait3A_150 = tpu.memref_squeeze %dma_wait3A_149 : memref<1x4000xi32, #tpu.memory_space<hbm>> -> memref<4000xi32, #tpu.memory_space<hbm>>
      tpu.wait_dma2 semaphore(%run_scoped3A_140 : memref<!tpu.dma_semaphore, #tpu.memory_space<semaphore_mem>>) src(%dma_wait3A_150 : memref<4000xi32, #tpu.memory_space<hbm>>) dst(%arg7 : memref<4000xi32, #tpu.memory_space<vmem>>)
      tpu.yield
    }) : () -> ()
    "tpu.region"() ({
      %run_scoped3A_140 = tpu.sem_alloc : memref<!tpu.dma_semaphore, #tpu.memory_space<semaphore_mem>>
      tpu.enqueue_dma source(%arg3 : memref<4000xf32, #tpu.memory_space<hbm>>) target(%arg8 : memref<4000xf32, #tpu.memory_space<vmem>>) target_semaphore(%run_scoped3A_140 : memref<!tpu.dma_semaphore, #tpu.memory_space<semaphore_mem>>)
      tpu.wait_dma2 semaphore(%run_scoped3A_140 : memref<!tpu.dma_semaphore, #tpu.memory_space<semaphore_mem>>) src(%arg3 : memref<4000xf32, #tpu.memory_space<hbm>>) dst(%arg8 : memref<4000xf32, #tpu.memory_space<vmem>>)
      tpu.yield
    }) : () -> ()
    %broadcast_in_dim3A = arith.constant 0.000000e+00 : f32
    %broadcast_in_dim3A_4 = vector.broadcast %broadcast_in_dim3A : f32 to vector<16xf32>
    %swap3A = arith.constant 0 : index
    %swap3A_5 = tpu.vector_load %arg9[%swap3A] {strides = array<i32>} : memref<512xf32, #tpu.memory_space<vmem>>, vector<16xf32>,
    tpu.vector_store %arg9[%swap3A], %broadcast_in_dim3A_4 {strides = array<i32>} : memref<512xf32, #tpu.memory_space<vmem>>, vector<16xf32>,
    %swap3A_6 = arith.constant 0 : index
    %swap3A_7 = tpu.vector_load %arg10[%swap3A_6] {strides = array<i32>} : memref<512xf32, #tpu.memory_space<vmem>>, vector<16xf32>,
    tpu.vector_store %arg10[%swap3A_6], %broadcast_in_dim3A_4 {strides = array<i32>} : memref<512xf32, #tpu.memory_space<vmem>>, vector<16xf32>,
    %swap3A_8 = arith.constant 16 : index
    %swap3A_9 = tpu.vector_load %arg9[%swap3A_8] {strides = array<i32>} : memref<512xf32, #tpu.memory_space<vmem>>, vector<16xf32>,
    tpu.vector_store %arg9[%swap3A_8], %broadcast_in_dim3A_4 {strides = array<i32>} : memref<512xf32, #tpu.memory_space<vmem>>, vector<16xf32>,
    %swap3A_10 = arith.constant 16 : index
    %swap3A_11 = tpu.vector_load %arg10[%swap3A_10] {strides = array<i32>} : memref<512xf32, #tpu.memory_space<vmem>>, vector<16xf32>,
    tpu.vector_store %arg10[%swap3A_10], %broadcast_in_dim3A_4 {strides = array<i32>} : memref<512xf32, #tpu.memory_space<vmem>>, vector<16xf32>,
    %swap3A_12 = arith.constant 32 : index
    %swap3A_13 = tpu.vector_load %arg9[%swap3A_12] {strides = array<i32>} : memref<512xf32, #tpu.memory_space<vmem>>, vector<16xf32>,
    tpu.vector_store %arg9[%swap3A_12], %broadcast_in_dim3A_4 {strides = array<i32>} : memref<512xf32, #tpu.memory_space<vmem>>, vector<16xf32>,
    %swap3A_14 = arith.constant 32 : index
    %swap3A_15 = tpu.vector_load %arg10[%swap3A_14] {strides = array<i32>} : memref<512xf32, #tpu.memory_space<vmem>>, vector<16xf32>,
    tpu.vector_store %arg10[%swap3A_14], %broadcast_in_dim3A_4 {strides = array<i32>} : memref<512xf32, #tpu.memory_space<vmem>>, vector<16xf32>,
    %swap3A_16 = arith.constant 48 : index
    %swap3A_17 = tpu.vector_load %arg9[%swap3A_16] {strides = array<i32>} : memref<512xf32, #tpu.memory_space<vmem>>, vector<16xf32>,
    tpu.vector_store %arg9[%swap3A_16], %broadcast_in_dim3A_4 {strides = array<i32>} : memref<512xf32, #tpu.memory_space<vmem>>, vector<16xf32>,
    %swap3A_18 = arith.constant 48 : index
    %swap3A_19 = tpu.vector_load %arg10[%swap3A_18] {strides = array<i32>} : memref<512xf32, #tpu.memory_space<vmem>>, vector<16xf32>,
    tpu.vector_store %arg10[%swap3A_18], %broadcast_in_dim3A_4 {strides = array<i32>} : memref<512xf32, #tpu.memory_space<vmem>>, vector<16xf32>,
    %swap3A_20 = arith.constant 64 : index
    %swap3A_21 = tpu.vector_load %arg9[%swap3A_20] {strides = array<i32>} : memref<512xf32, #tpu.memory_space<vmem>>, vector<16xf32>,
    tpu.vector_store %arg9[%swap3A_20], %broadcast_in_dim3A_4 {strides = array<i32>} : memref<512xf32, #tpu.memory_space<vmem>>, vector<16xf32>,
    %swap3A_22 = arith.constant 64 : index
    %swap3A_23 = tpu.vector_load %arg10[%swap3A_22] {strides = array<i32>} : memref<512xf32, #tpu.memory_space<vmem>>, vector<16xf32>,
    tpu.vector_store %arg10[%swap3A_22], %broadcast_in_dim3A_4 {strides = array<i32>} : memref<512xf32, #tpu.memory_space<vmem>>, vector<16xf32>,
    %swap3A_24 = arith.constant 80 : index
    %swap3A_25 = tpu.vector_load %arg9[%swap3A_24] {strides = array<i32>} : memref<512xf32, #tpu.memory_space<vmem>>, vector<16xf32>,
    tpu.vector_store %arg9[%swap3A_24], %broadcast_in_dim3A_4 {strides = array<i32>} : memref<512xf32, #tpu.memory_space<vmem>>, vector<16xf32>,
    %swap3A_26 = arith.constant 80 : index
    %swap3A_27 = tpu.vector_load %arg10[%swap3A_26] {strides = array<i32>} : memref<512xf32, #tpu.memory_space<vmem>>, vector<16xf32>,
    tpu.vector_store %arg10[%swap3A_26], %broadcast_in_dim3A_4 {strides = array<i32>} : memref<512xf32, #tpu.memory_space<vmem>>, vector<16xf32>,
    %swap3A_28 = arith.constant 96 : index
    %swap3A_29 = tpu.vector_load %arg9[%swap3A_28] {strides = array<i32>} : memref<512xf32, #tpu.memory_space<vmem>>, vector<16xf32>,
    tpu.vector_store %arg9[%swap3A_28], %broadcast_in_dim3A_4 {strides = array<i32>} : memref<512xf32, #tpu.memory_space<vmem>>, vector<16xf32>,
    %swap3A_30 = arith.constant 96 : index
    %swap3A_31 = tpu.vector_load %arg10[%swap3A_30] {strides = array<i32>} : memref<512xf32, #tpu.memory_space<vmem>>, vector<16xf32>,
    tpu.vector_store %arg10[%swap3A_30], %broadcast_in_dim3A_4 {strides = array<i32>} : memref<512xf32, #tpu.memory_space<vmem>>, vector<16xf32>,
    %swap3A_32 = arith.constant 112 : index
    %swap3A_33 = tpu.vector_load %arg9[%swap3A_32] {strides = array<i32>} : memref<512xf32, #tpu.memory_space<vmem>>, vector<16xf32>,
    tpu.vector_store %arg9[%swap3A_32], %broadcast_in_dim3A_4 {strides = array<i32>} : memref<512xf32, #tpu.memory_space<vmem>>, vector<16xf32>,
    %swap3A_34 = arith.constant 112 : index
    %swap3A_35 = tpu.vector_load %arg10[%swap3A_34] {strides = array<i32>} : memref<512xf32, #tpu.memory_space<vmem>>, vector<16xf32>,
    tpu.vector_store %arg10[%swap3A_34], %broadcast_in_dim3A_4 {strides = array<i32>} : memref<512xf32, #tpu.memory_space<vmem>>, vector<16xf32>,
    %swap3A_36 = arith.constant 128 : index
    %swap3A_37 = tpu.vector_load %arg9[%swap3A_36] {strides = array<i32>} : memref<512xf32, #tpu.memory_space<vmem>>, vector<16xf32>,
    tpu.vector_store %arg9[%swap3A_36], %broadcast_in_dim3A_4 {strides = array<i32>} : memref<512xf32, #tpu.memory_space<vmem>>, vector<16xf32>,
    %swap3A_38 = arith.constant 128 : index
    %swap3A_39 = tpu.vector_load %arg10[%swap3A_38] {strides = array<i32>} : memref<512xf32, #tpu.memory_space<vmem>>, vector<16xf32>,
    tpu.vector_store %arg10[%swap3A_38], %broadcast_in_dim3A_4 {strides = array<i32>} : memref<512xf32, #tpu.memory_space<vmem>>, vector<16xf32>,
    %swap3A_40 = arith.constant 144 : index
    %swap3A_41 = tpu.vector_load %arg9[%swap3A_40] {strides = array<i32>} : memref<512xf32, #tpu.memory_space<vmem>>, vector<16xf32>,
    tpu.vector_store %arg9[%swap3A_40], %broadcast_in_dim3A_4 {strides = array<i32>} : memref<512xf32, #tpu.memory_space<vmem>>, vector<16xf32>,
    %swap3A_42 = arith.constant 144 : index
    %swap3A_43 = tpu.vector_load %arg10[%swap3A_42] {strides = array<i32>} : memref<512xf32, #tpu.memory_space<vmem>>, vector<16xf32>,
    tpu.vector_store %arg10[%swap3A_42], %broadcast_in_dim3A_4 {strides = array<i32>} : memref<512xf32, #tpu.memory_space<vmem>>, vector<16xf32>,
    %swap3A_44 = arith.constant 160 : index
    %swap3A_45 = tpu.vector_load %arg9[%swap3A_44] {strides = array<i32>} : memref<512xf32, #tpu.memory_space<vmem>>, vector<16xf32>,
    tpu.vector_store %arg9[%swap3A_44], %broadcast_in_dim3A_4 {strides = array<i32>} : memref<512xf32, #tpu.memory_space<vmem>>, vector<16xf32>,
    %swap3A_46 = arith.constant 160 : index
    %swap3A_47 = tpu.vector_load %arg10[%swap3A_46] {strides = array<i32>} : memref<512xf32, #tpu.memory_space<vmem>>, vector<16xf32>,
    tpu.vector_store %arg10[%swap3A_46], %broadcast_in_dim3A_4 {strides = array<i32>} : memref<512xf32, #tpu.memory_space<vmem>>, vector<16xf32>,
    %swap3A_48 = arith.constant 176 : index
    %swap3A_49 = tpu.vector_load %arg9[%swap3A_48] {strides = array<i32>} : memref<512xf32, #tpu.memory_space<vmem>>, vector<16xf32>,
    tpu.vector_store %arg9[%swap3A_48], %broadcast_in_dim3A_4 {strides = array<i32>} : memref<512xf32, #tpu.memory_space<vmem>>, vector<16xf32>,
    %swap3A_50 = arith.constant 176 : index
    %swap3A_51 = tpu.vector_load %arg10[%swap3A_50] {strides = array<i32>} : memref<512xf32, #tpu.memory_space<vmem>>, vector<16xf32>,
    tpu.vector_store %arg10[%swap3A_50], %broadcast_in_dim3A_4 {strides = array<i32>} : memref<512xf32, #tpu.memory_space<vmem>>, vector<16xf32>,
    %swap3A_52 = arith.constant 192 : index
    %swap3A_53 = tpu.vector_load %arg9[%swap3A_52] {strides = array<i32>} : memref<512xf32, #tpu.memory_space<vmem>>, vector<16xf32>,
    tpu.vector_store %arg9[%swap3A_52], %broadcast_in_dim3A_4 {strides = array<i32>} : memref<512xf32, #tpu.memory_space<vmem>>, vector<16xf32>,
    %swap3A_54 = arith.constant 192 : index
    %swap3A_55 = tpu.vector_load %arg10[%swap3A_54] {strides = array<i32>} : memref<512xf32, #tpu.memory_space<vmem>>, vector<16xf32>,
    tpu.vector_store %arg10[%swap3A_54], %broadcast_in_dim3A_4 {strides = array<i32>} : memref<512xf32, #tpu.memory_space<vmem>>, vector<16xf32>,
    %swap3A_56 = arith.constant 208 : index
    %swap3A_57 = tpu.vector_load %arg9[%swap3A_56] {strides = array<i32>} : memref<512xf32, #tpu.memory_space<vmem>>, vector<16xf32>,
    tpu.vector_store %arg9[%swap3A_56], %broadcast_in_dim3A_4 {strides = array<i32>} : memref<512xf32, #tpu.memory_space<vmem>>, vector<16xf32>,
    %swap3A_58 = arith.constant 208 : index
    %swap3A_59 = tpu.vector_load %arg10[%swap3A_58] {strides = array<i32>} : memref<512xf32, #tpu.memory_space<vmem>>, vector<16xf32>,
    tpu.vector_store %arg10[%swap3A_58], %broadcast_in_dim3A_4 {strides = array<i32>} : memref<512xf32, #tpu.memory_space<vmem>>, vector<16xf32>,
    %swap3A_60 = arith.constant 224 : index
    %swap3A_61 = tpu.vector_load %arg9[%swap3A_60] {strides = array<i32>} : memref<512xf32, #tpu.memory_space<vmem>>, vector<16xf32>,
    tpu.vector_store %arg9[%swap3A_60], %broadcast_in_dim3A_4 {strides = array<i32>} : memref<512xf32, #tpu.memory_space<vmem>>, vector<16xf32>,
    %swap3A_62 = arith.constant 224 : index
    %swap3A_63 = tpu.vector_load %arg10[%swap3A_62] {strides = array<i32>} : memref<512xf32, #tpu.memory_space<vmem>>, vector<16xf32>,
    tpu.vector_store %arg10[%swap3A_62], %broadcast_in_dim3A_4 {strides = array<i32>} : memref<512xf32, #tpu.memory_space<vmem>>, vector<16xf32>,
    %swap3A_64 = arith.constant 240 : index
    %swap3A_65 = tpu.vector_load %arg9[%swap3A_64] {strides = array<i32>} : memref<512xf32, #tpu.memory_space<vmem>>, vector<16xf32>,
    tpu.vector_store %arg9[%swap3A_64], %broadcast_in_dim3A_4 {strides = array<i32>} : memref<512xf32, #tpu.memory_space<vmem>>, vector<16xf32>,
    %swap3A_66 = arith.constant 240 : index
    %swap3A_67 = tpu.vector_load %arg10[%swap3A_66] {strides = array<i32>} : memref<512xf32, #tpu.memory_space<vmem>>, vector<16xf32>,
    tpu.vector_store %arg10[%swap3A_66], %broadcast_in_dim3A_4 {strides = array<i32>} : memref<512xf32, #tpu.memory_space<vmem>>, vector<16xf32>,
    %swap3A_68 = arith.constant 256 : index
    %swap3A_69 = tpu.vector_load %arg9[%swap3A_68] {strides = array<i32>} : memref<512xf32, #tpu.memory_space<vmem>>, vector<16xf32>,
    tpu.vector_store %arg9[%swap3A_68], %broadcast_in_dim3A_4 {strides = array<i32>} : memref<512xf32, #tpu.memory_space<vmem>>, vector<16xf32>,
    %swap3A_70 = arith.constant 256 : index
    %swap3A_71 = tpu.vector_load %arg10[%swap3A_70] {strides = array<i32>} : memref<512xf32, #tpu.memory_space<vmem>>, vector<16xf32>,
    tpu.vector_store %arg10[%swap3A_70], %broadcast_in_dim3A_4 {strides = array<i32>} : memref<512xf32, #tpu.memory_space<vmem>>, vector<16xf32>,
    %swap3A_72 = arith.constant 272 : index
    %swap3A_73 = tpu.vector_load %arg9[%swap3A_72] {strides = array<i32>} : memref<512xf32, #tpu.memory_space<vmem>>, vector<16xf32>,
    tpu.vector_store %arg9[%swap3A_72], %broadcast_in_dim3A_4 {strides = array<i32>} : memref<512xf32, #tpu.memory_space<vmem>>, vector<16xf32>,
    %swap3A_74 = arith.constant 272 : index
    %swap3A_75 = tpu.vector_load %arg10[%swap3A_74] {strides = array<i32>} : memref<512xf32, #tpu.memory_space<vmem>>, vector<16xf32>,
    tpu.vector_store %arg10[%swap3A_74], %broadcast_in_dim3A_4 {strides = array<i32>} : memref<512xf32, #tpu.memory_space<vmem>>, vector<16xf32>,
    %swap3A_76 = arith.constant 288 : index
    %swap3A_77 = tpu.vector_load %arg9[%swap3A_76] {strides = array<i32>} : memref<512xf32, #tpu.memory_space<vmem>>, vector<16xf32>,
    tpu.vector_store %arg9[%swap3A_76], %broadcast_in_dim3A_4 {strides = array<i32>} : memref<512xf32, #tpu.memory_space<vmem>>, vector<16xf32>,
    %swap3A_78 = arith.constant 288 : index
    %swap3A_79 = tpu.vector_load %arg10[%swap3A_78] {strides = array<i32>} : memref<512xf32, #tpu.memory_space<vmem>>, vector<16xf32>,
    tpu.vector_store %arg10[%swap3A_78], %broadcast_in_dim3A_4 {strides = array<i32>} : memref<512xf32, #tpu.memory_space<vmem>>, vector<16xf32>,
    %swap3A_80 = arith.constant 304 : index
    %swap3A_81 = tpu.vector_load %arg9[%swap3A_80] {strides = array<i32>} : memref<512xf32, #tpu.memory_space<vmem>>, vector<16xf32>,
    tpu.vector_store %arg9[%swap3A_80], %broadcast_in_dim3A_4 {strides = array<i32>} : memref<512xf32, #tpu.memory_space<vmem>>, vector<16xf32>,
    %swap3A_82 = arith.constant 304 : index
    %swap3A_83 = tpu.vector_load %arg10[%swap3A_82] {strides = array<i32>} : memref<512xf32, #tpu.memory_space<vmem>>, vector<16xf32>,
    tpu.vector_store %arg10[%swap3A_82], %broadcast_in_dim3A_4 {strides = array<i32>} : memref<512xf32, #tpu.memory_space<vmem>>, vector<16xf32>,
    %swap3A_84 = arith.constant 320 : index
    %swap3A_85 = tpu.vector_load %arg9[%swap3A_84] {strides = array<i32>} : memref<512xf32, #tpu.memory_space<vmem>>, vector<16xf32>,
    tpu.vector_store %arg9[%swap3A_84], %broadcast_in_dim3A_4 {strides = array<i32>} : memref<512xf32, #tpu.memory_space<vmem>>, vector<16xf32>,
    %swap3A_86 = arith.constant 320 : index
    %swap3A_87 = tpu.vector_load %arg10[%swap3A_86] {strides = array<i32>} : memref<512xf32, #tpu.memory_space<vmem>>, vector<16xf32>,
    tpu.vector_store %arg10[%swap3A_86], %broadcast_in_dim3A_4 {strides = array<i32>} : memref<512xf32, #tpu.memory_space<vmem>>, vector<16xf32>,
    %swap3A_88 = arith.constant 336 : index
    %swap3A_89 = tpu.vector_load %arg9[%swap3A_88] {strides = array<i32>} : memref<512xf32, #tpu.memory_space<vmem>>, vector<16xf32>,
    tpu.vector_store %arg9[%swap3A_88], %broadcast_in_dim3A_4 {strides = array<i32>} : memref<512xf32, #tpu.memory_space<vmem>>, vector<16xf32>,
    %swap3A_90 = arith.constant 336 : index
    %swap3A_91 = tpu.vector_load %arg10[%swap3A_90] {strides = array<i32>} : memref<512xf32, #tpu.memory_space<vmem>>, vector<16xf32>,
    tpu.vector_store %arg10[%swap3A_90], %broadcast_in_dim3A_4 {strides = array<i32>} : memref<512xf32, #tpu.memory_space<vmem>>, vector<16xf32>,
    %swap3A_92 = arith.constant 352 : index
    %swap3A_93 = tpu.vector_load %arg9[%swap3A_92] {strides = array<i32>} : memref<512xf32, #tpu.memory_space<vmem>>, vector<16xf32>,
    tpu.vector_store %arg9[%swap3A_92], %broadcast_in_dim3A_4 {strides = array<i32>} : memref<512xf32, #tpu.memory_space<vmem>>, vector<16xf32>,
    %swap3A_94 = arith.constant 352 : index
    %swap3A_95 = tpu.vector_load %arg10[%swap3A_94] {strides = array<i32>} : memref<512xf32, #tpu.memory_space<vmem>>, vector<16xf32>,
    tpu.vector_store %arg10[%swap3A_94], %broadcast_in_dim3A_4 {strides = array<i32>} : memref<512xf32, #tpu.memory_space<vmem>>, vector<16xf32>,
    %swap3A_96 = arith.constant 368 : index
    %swap3A_97 = tpu.vector_load %arg9[%swap3A_96] {strides = array<i32>} : memref<512xf32, #tpu.memory_space<vmem>>, vector<16xf32>,
    tpu.vector_store %arg9[%swap3A_96], %broadcast_in_dim3A_4 {strides = array<i32>} : memref<512xf32, #tpu.memory_space<vmem>>, vector<16xf32>,
    %swap3A_98 = arith.constant 368 : index
    %swap3A_99 = tpu.vector_load %arg10[%swap3A_98] {strides = array<i32>} : memref<512xf32, #tpu.memory_space<vmem>>, vector<16xf32>,
    tpu.vector_store %arg10[%swap3A_98], %broadcast_in_dim3A_4 {strides = array<i32>} : memref<512xf32, #tpu.memory_space<vmem>>, vector<16xf32>,
    %swap3A_100 = arith.constant 384 : index
    %swap3A_101 = tpu.vector_load %arg9[%swap3A_100] {strides = array<i32>} : memref<512xf32, #tpu.memory_space<vmem>>, vector<16xf32>,
    tpu.vector_store %arg9[%swap3A_100], %broadcast_in_dim3A_4 {strides = array<i32>} : memref<512xf32, #tpu.memory_space<vmem>>, vector<16xf32>,
    %swap3A_102 = arith.constant 384 : index
    %swap3A_103 = tpu.vector_load %arg10[%swap3A_102] {strides = array<i32>} : memref<512xf32, #tpu.memory_space<vmem>>, vector<16xf32>,
    tpu.vector_store %arg10[%swap3A_102], %broadcast_in_dim3A_4 {strides = array<i32>} : memref<512xf32, #tpu.memory_space<vmem>>, vector<16xf32>,
    %swap3A_104 = arith.constant 400 : index
    %swap3A_105 = tpu.vector_load %arg9[%swap3A_104] {strides = array<i32>} : memref<512xf32, #tpu.memory_space<vmem>>, vector<16xf32>,
    tpu.vector_store %arg9[%swap3A_104], %broadcast_in_dim3A_4 {strides = array<i32>} : memref<512xf32, #tpu.memory_space<vmem>>, vector<16xf32>,
    %swap3A_106 = arith.constant 400 : index
    %swap3A_107 = tpu.vector_load %arg10[%swap3A_106] {strides = array<i32>} : memref<512xf32, #tpu.memory_space<vmem>>, vector<16xf32>,
    tpu.vector_store %arg10[%swap3A_106], %broadcast_in_dim3A_4 {strides = array<i32>} : memref<512xf32, #tpu.memory_space<vmem>>, vector<16xf32>,
    %swap3A_108 = arith.constant 416 : index
    %swap3A_109 = tpu.vector_load %arg9[%swap3A_108] {strides = array<i32>} : memref<512xf32, #tpu.memory_space<vmem>>, vector<16xf32>,
    tpu.vector_store %arg9[%swap3A_108], %broadcast_in_dim3A_4 {strides = array<i32>} : memref<512xf32, #tpu.memory_space<vmem>>, vector<16xf32>,
    %swap3A_110 = arith.constant 416 : index
    %swap3A_111 = tpu.vector_load %arg10[%swap3A_110] {strides = array<i32>} : memref<512xf32, #tpu.memory_space<vmem>>, vector<16xf32>,
    tpu.vector_store %arg10[%swap3A_110], %broadcast_in_dim3A_4 {strides = array<i32>} : memref<512xf32, #tpu.memory_space<vmem>>, vector<16xf32>,
    %swap3A_112 = arith.constant 432 : index
    %swap3A_113 = tpu.vector_load %arg9[%swap3A_112] {strides = array<i32>} : memref<512xf32, #tpu.memory_space<vmem>>, vector<16xf32>,
    tpu.vector_store %arg9[%swap3A_112], %broadcast_in_dim3A_4 {strides = array<i32>} : memref<512xf32, #tpu.memory_space<vmem>>, vector<16xf32>,
    %swap3A_114 = arith.constant 432 : index
    %swap3A_115 = tpu.vector_load %arg10[%swap3A_114] {strides = array<i32>} : memref<512xf32, #tpu.memory_space<vmem>>, vector<16xf32>,
    tpu.vector_store %arg10[%swap3A_114], %broadcast_in_dim3A_4 {strides = array<i32>} : memref<512xf32, #tpu.memory_space<vmem>>, vector<16xf32>,
    %swap3A_116 = arith.constant 448 : index
    %swap3A_117 = tpu.vector_load %arg9[%swap3A_116] {strides = array<i32>} : memref<512xf32, #tpu.memory_space<vmem>>, vector<16xf32>,
    tpu.vector_store %arg9[%swap3A_116], %broadcast_in_dim3A_4 {strides = array<i32>} : memref<512xf32, #tpu.memory_space<vmem>>, vector<16xf32>,
    %swap3A_118 = arith.constant 448 : index
    %swap3A_119 = tpu.vector_load %arg10[%swap3A_118] {strides = array<i32>} : memref<512xf32, #tpu.memory_space<vmem>>, vector<16xf32>,
    tpu.vector_store %arg10[%swap3A_118], %broadcast_in_dim3A_4 {strides = array<i32>} : memref<512xf32, #tpu.memory_space<vmem>>, vector<16xf32>,
    %swap3A_120 = arith.constant 464 : index
    %swap3A_121 = tpu.vector_load %arg9[%swap3A_120] {strides = array<i32>} : memref<512xf32, #tpu.memory_space<vmem>>, vector<16xf32>,
    tpu.vector_store %arg9[%swap3A_120], %broadcast_in_dim3A_4 {strides = array<i32>} : memref<512xf32, #tpu.memory_space<vmem>>, vector<16xf32>,
    %swap3A_122 = arith.constant 464 : index
    %swap3A_123 = tpu.vector_load %arg10[%swap3A_122] {strides = array<i32>} : memref<512xf32, #tpu.memory_space<vmem>>, vector<16xf32>,
    tpu.vector_store %arg10[%swap3A_122], %broadcast_in_dim3A_4 {strides = array<i32>} : memref<512xf32, #tpu.memory_space<vmem>>, vector<16xf32>,
    %swap3A_124 = arith.constant 480 : index
    %swap3A_125 = tpu.vector_load %arg9[%swap3A_124] {strides = array<i32>} : memref<512xf32, #tpu.memory_space<vmem>>, vector<16xf32>,
    tpu.vector_store %arg9[%swap3A_124], %broadcast_in_dim3A_4 {strides = array<i32>} : memref<512xf32, #tpu.memory_space<vmem>>, vector<16xf32>,
    %swap3A_126 = arith.constant 480 : index
    %swap3A_127 = tpu.vector_load %arg10[%swap3A_126] {strides = array<i32>} : memref<512xf32, #tpu.memory_space<vmem>>, vector<16xf32>,
    tpu.vector_store %arg10[%swap3A_126], %broadcast_in_dim3A_4 {strides = array<i32>} : memref<512xf32, #tpu.memory_space<vmem>>, vector<16xf32>,
    %swap3A_128 = arith.constant 496 : index
    %swap3A_129 = tpu.vector_load %arg9[%swap3A_128] {strides = array<i32>} : memref<512xf32, #tpu.memory_space<vmem>>, vector<16xf32>,
    tpu.vector_store %arg9[%swap3A_128], %broadcast_in_dim3A_4 {strides = array<i32>} : memref<512xf32, #tpu.memory_space<vmem>>, vector<16xf32>,
    %swap3A_130 = arith.constant 496 : index
    %swap3A_131 = tpu.vector_load %arg10[%swap3A_130] {strides = array<i32>} : memref<512xf32, #tpu.memory_space<vmem>>, vector<16xf32>,
    tpu.vector_store %arg10[%swap3A_130], %broadcast_in_dim3A_4 {strides = array<i32>} : memref<512xf32, #tpu.memory_space<vmem>>, vector<16xf32>,
    %broadcast_in_dim3A_132 = arith.constant 1.000000e+00 : f32
    %broadcast_in_dim3A_133 = vector.broadcast %broadcast_in_dim3A_132 : f32 to vector<16xf32>
    %parallel_loop3A = arith.constant 0 : i32
    %parallel_loop3A_134 = arith.constant 250 : i32
    %parallel_loop3A_135 = arith.constant 1 : i32
    scf.for %parallel_loop3A_140 = %parallel_loop3A to %parallel_loop3A_134 step %parallel_loop3A_135  : i32 {
      %parallel_loop3A_141 = arith.constant 16 : i32
      %parallel_loop3A_142 = arith.muli %parallel_loop3A_140, %parallel_loop3A_141 : i32
      %parallel_loop3A_143 = arith.index_cast %parallel_loop3A_142 : i32 to index
      %parallel_loop3A_144 = tpu.vector_load %arg6[%parallel_loop3A_143] {strides = array<i32>} : memref<4000xi32, #tpu.memory_space<vmem>>, vector<16xi32>,
      %parallel_loop3A_145 = arith.index_cast %parallel_loop3A_142 : i32 to index
      %parallel_loop3A_146 = tpu.vector_load %arg7[%parallel_loop3A_145] {strides = array<i32>} : memref<4000xi32, #tpu.memory_space<vmem>>, vector<16xi32>,
      %parallel_loop3A_147 = arith.index_cast %parallel_loop3A_142 : i32 to index
      %parallel_loop3A_148 = tpu.vector_load %arg8[%parallel_loop3A_147] {strides = array<i32>} : memref<4000xf32, #tpu.memory_space<vmem>>, vector<16xf32>,
      %parallel_loop3A_149 = vector.broadcast %mul3A_2 : i32 to vector<16xi32>
      %parallel_loop3A_150 = arith.subi %parallel_loop3A_146, %parallel_loop3A_149 : vector<16xi32>
      %parallel_loop3A_151 = arith.constant 0 : i32
      %parallel_loop3A_152 = vector.broadcast %parallel_loop3A_151 : i32 to vector<16xi32>
      %parallel_loop3A_153 = arith.cmpi sge, %parallel_loop3A_150, %parallel_loop3A_152 : vector<16xi32>
      %parallel_loop3A_154 = arith.constant 4 : i32
      %parallel_loop3A_155 = vector.broadcast %parallel_loop3A_154 : i32 to vector<16xi32>
      %parallel_loop3A_156 = arith.cmpi slt, %parallel_loop3A_150, %parallel_loop3A_155 : vector<16xi32>
      %parallel_loop3A_157 = arith.andi %parallel_loop3A_153, %parallel_loop3A_156 : vector<16xi1>
      %parallel_loop3A_158 = arith.constant 0 : i32
      %parallel_loop3A_159 = arith.constant 3 : i32
      %parallel_loop3A_160 = vector.broadcast %parallel_loop3A_158 : i32 to vector<16xi32>
      %parallel_loop3A_161 = arith.maxsi %parallel_loop3A_160, %parallel_loop3A_150 : vector<16xi32>
      %parallel_loop3A_162 = vector.broadcast %parallel_loop3A_159 : i32 to vector<16xi32>
      %parallel_loop3A_163 = arith.minsi %parallel_loop3A_162, %parallel_loop3A_161 : vector<16xi32>
      %parallel_loop3A_164 = arith.constant 128 : i32
      %parallel_loop3A_165 = vector.broadcast %parallel_loop3A_164 : i32 to vector<16xi32>
      %parallel_loop3A_166 = arith.muli %parallel_loop3A_163, %parallel_loop3A_165 : vector<16xi32>
      %parallel_loop3A_167 = arith.addi %parallel_loop3A_166, %parallel_loop3A_144 : vector<16xi32>
      %parallel_loop3A_168 = arith.constant 0.000000e+00 : f32
      %parallel_loop3A_169 = vector.broadcast %parallel_loop3A_168 : f32 to vector<16xf32>
      %parallel_loop3A_170 = arith.select %parallel_loop3A_157, %parallel_loop3A_148, %parallel_loop3A_169 : vector<16xi1>, vector<16xf32>
      tpu.vector_store_idx %arg9[%parallel_loop3A_167], %parallel_loop3A_170 {add = true} : memref<512xf32, #tpu.memory_space<vmem>>[vector<16xi32>], vector<16xf32>,
      %parallel_loop3A_171 = arith.constant 0.000000e+00 : f32
      %parallel_loop3A_172 = vector.broadcast %parallel_loop3A_171 : f32 to vector<16xf32>
      %parallel_loop3A_173 = arith.select %parallel_loop3A_157, %broadcast_in_dim3A_133, %parallel_loop3A_172 : vector<16xi1>, vector<16xf32>
      tpu.vector_store_idx %arg10[%parallel_loop3A_167], %parallel_loop3A_173 {add = true} : memref<512xf32, #tpu.memory_space<vmem>>[vector<16xi32>], vector<16xf32>,
    } {sc.loop_unroll_factor = 1 : i64, sc.parallel_access}
    %mul3A_136 = arith.constant 128 : i32
    %mul3A_137 = arith.muli %mul3A_2, %mul3A_136 : i32
    "tpu.region"() ({
      %run_scoped3A_140 = tpu.sem_alloc : memref<!tpu.dma_semaphore, #tpu.memory_space<semaphore_mem>>
      %dma_start3A = tpu.memref_slice %arg4[%mul3A_137] : memref<16384xf32, #tpu.memory_space<hbm>> -> memref<512xf32, #tpu.memory_space<hbm>>
      %dma_start3A_141 = tpu.memref_slice %arg4[%mul3A_137] : memref<16384xf32, #tpu.memory_space<hbm>> -> memref<512xf32, #tpu.memory_space<hbm>>
      tpu.enqueue_dma source(%arg9 : memref<512xf32, #tpu.memory_space<vmem>>) target(%dma_start3A_141 : memref<512xf32, #tpu.memory_space<hbm>>) target_semaphore(%run_scoped3A_140 : memref<!tpu.dma_semaphore, #tpu.memory_space<semaphore_mem>>)
      %dma_wait3A = tpu.memref_slice %arg4[%mul3A_137] : memref<16384xf32, #tpu.memory_space<hbm>> -> memref<512xf32, #tpu.memory_space<hbm>>
      %dma_wait3A_142 = tpu.memref_slice %arg4[%mul3A_137] : memref<16384xf32, #tpu.memory_space<hbm>> -> memref<512xf32, #tpu.memory_space<hbm>>
      tpu.wait_dma2 semaphore(%run_scoped3A_140 : memref<!tpu.dma_semaphore, #tpu.memory_space<semaphore_mem>>) src(%arg9 : memref<512xf32, #tpu.memory_space<vmem>>) dst(%dma_wait3A_142 : memref<512xf32, #tpu.memory_space<hbm>>)
      tpu.yield
    }) : () -> ()
    %mul3A_138 = arith.constant 128 : i32
    %mul3A_139 = arith.muli %mul3A_2, %mul3A_138 : i32
    "tpu.region"() ({
      %run_scoped3A_140 = tpu.sem_alloc : memref<!tpu.dma_semaphore, #tpu.memory_space<semaphore_mem>>
      %dma_start3A = tpu.memref_slice %arg5[%mul3A_139] : memref<16384xf32, #tpu.memory_space<hbm>> -> memref<512xf32, #tpu.memory_space<hbm>>
      %dma_start3A_141 = tpu.memref_slice %arg5[%mul3A_139] : memref<16384xf32, #tpu.memory_space<hbm>> -> memref<512xf32, #tpu.memory_space<hbm>>
      tpu.enqueue_dma source(%arg10 : memref<512xf32, #tpu.memory_space<vmem>>) target(%dma_start3A_141 : memref<512xf32, #tpu.memory_space<hbm>>) target_semaphore(%run_scoped3A_140 : memref<!tpu.dma_semaphore, #tpu.memory_space<semaphore_mem>>)
      %dma_wait3A = tpu.memref_slice %arg5[%mul3A_139] : memref<16384xf32, #tpu.memory_space<hbm>> -> memref<512xf32, #tpu.memory_space<hbm>>
      %dma_wait3A_142 = tpu.memref_slice %arg5[%mul3A_139] : memref<16384xf32, #tpu.memory_space<hbm>> -> memref<512xf32, #tpu.memory_space<hbm>>
      tpu.wait_dma2 semaphore(%run_scoped3A_140 : memref<!tpu.dma_semaphore, #tpu.memory_space<semaphore_mem>>) src(%arg10 : memref<512xf32, #tpu.memory_space<vmem>>) dst(%dma_wait3A_142 : memref<512xf32, #tpu.memory_space<hbm>>)
      tpu.yield
    }) : () -> ()
    return
  }
}

module attributes {stable_mosaic.version = 14 : i64} {
  func.func @_mega(%arg0: memref<128x128xf32, #tpu.memory_space<vmem>>, %arg1: memref<128x128xf32, #tpu.memory_space<vmem>>, %arg2: memref<100x100xf32, #tpu.memory_space<vmem>>, %arg3: memref<100x64xf32, #tpu.memory_space<vmem>>, %arg4: memref<1x64xf32, #tpu.memory_space<vmem>>, %arg5: memref<100x64xf32, #tpu.memory_space<vmem>>, %arg6: memref<1x64xf32, #tpu.memory_space<vmem>>, %arg7: memref<64x20xf32, #tpu.memory_space<vmem>>, %arg8: memref<1x20xf32, #tpu.memory_space<vmem>>, %arg9: memref<64x20xf32, #tpu.memory_space<vmem>>, %arg10: memref<1x20xf32, #tpu.memory_space<vmem>>, %arg11: memref<20x20xf32, #tpu.memory_space<vmem>>, %arg12: memref<1x20xf32, #tpu.memory_space<vmem>>, %arg13: memref<20x1xf32, #tpu.memory_space<vmem>>, %arg14: memref<1x1xf32, #tpu.memory_space<vmem>>, %arg15: memref<20x1xf32, #tpu.memory_space<vmem>>, %arg16: memref<20x50xf32, #tpu.memory_space<vmem>>, %arg17: memref<20x50xf32, #tpu.memory_space<vmem>>, %arg18: memref<20x50xf32, #tpu.memory_space<vmem>>, %arg19: memref<1x50xf32, #tpu.memory_space<vmem>>, %arg20: memref<50x20xf32, #tpu.memory_space<vmem>>) attributes {dimension_semantics = [], scalar_prefetch = 0 : i64, scratch_operands = 0 : i64, tpu.core_type = #tpu.core_type<tc>} {
    %iota3A = tpu.iota {dimensions = array<i32: 0>} : vector<100x100xi32>
    %iota3A_0 = tpu.iota {dimensions = array<i32: 1>} : vector<100x100xi32>
    %eq3A = arith.cmpi eq, %iota3A, %iota3A_0 : vector<100x100xi32>
    %convert_element_type3A = arith.extui %eq3A : vector<100x100xi1> to vector<100x100xi32>
    %convert_element_type3A_1 = arith.sitofp %convert_element_type3A : vector<100x100xi32> to vector<100x100xf32>
    %get3A = arith.constant 0 : index
    %get3A_2 = arith.constant 0 : index
    %get3A_3 = vector.load %arg0[%get3A, %get3A_2] : memref<128x128xf32, #tpu.memory_space<vmem>>, vector<100x100xf32>
    %get3A_4 = arith.constant 0 : index
    %get3A_5 = arith.constant 0 : index
    %get3A_6 = vector.load %arg1[%get3A_4, %get3A_5] : memref<128x128xf32, #tpu.memory_space<vmem>>, vector<100x100xf32>
    %lt3A = arith.constant 50 : i32
    %lt3A_7 = vector.broadcast %lt3A : i32 to vector<100x100xi32>
    %lt3A_8 = arith.cmpi slt, %iota3A, %lt3A_7 : vector<100x100xi32>
    %lt3A_9 = arith.constant 50 : i32
    %lt3A_10 = vector.broadcast %lt3A_9 : i32 to vector<100x100xi32>
    %lt3A_11 = arith.cmpi slt, %iota3A_0, %lt3A_10 : vector<100x100xi32>
    %and3A = arith.andi %lt3A_8, %lt3A_11 : vector<100x100xi1>
    %convert_element_type3A_12 = arith.extui %and3A : vector<100x100xi1> to vector<100x100xi32>
    %convert_element_type3A_13 = arith.sitofp %convert_element_type3A_12 : vector<100x100xi32> to vector<100x100xf32>
    %ge3A = arith.constant 50 : i32
    %ge3A_14 = vector.broadcast %ge3A : i32 to vector<100x100xi32>
    %ge3A_15 = arith.cmpi sge, %iota3A, %ge3A_14 : vector<100x100xi32>
    %ge3A_16 = arith.constant 50 : i32
    %ge3A_17 = vector.broadcast %ge3A_16 : i32 to vector<100x100xi32>
    %ge3A_18 = arith.cmpi sge, %iota3A_0, %ge3A_17 : vector<100x100xi32>
    %and3A_19 = arith.andi %ge3A_15, %ge3A_18 : vector<100x100xi1>
    %convert_element_type3A_20 = arith.extui %and3A_19 : vector<100x100xi1> to vector<100x100xi32>
    %convert_element_type3A_21 = arith.sitofp %convert_element_type3A_20 : vector<100x100xi32> to vector<100x100xf32>
    %mul3A = arith.mulf %get3A_3, %convert_element_type3A_13 : vector<100x100xf32>
    %reduce_sum3A = arith.constant dense<0.000000e+00> : vector<100xf32>
    %reduce_sum3A_22 = vector.multi_reduction <add>, %mul3A, %reduce_sum3A [1] : vector<100x100xf32> to vector<100xf32>
    %broadcast_in_dim3A = vector.shape_cast %reduce_sum3A_22 : vector<100xf32> to vector<100x1xf32>
    %add3A = arith.constant 1.000000e+00 : f32
    %add3A_23 = vector.broadcast %add3A : f32 to vector<100x1xf32>
    %add3A_24 = arith.addf %broadcast_in_dim3A, %add3A_23 : vector<100x1xf32>
    %rsqrt3A = math.rsqrt %add3A_24 : vector<100x1xf32>
    %mul3A_25 = vector.broadcast %rsqrt3A : vector<100x1xf32> to vector<100x100xf32>
    %mul3A_26 = arith.mulf %mul3A_25, %mul3A : vector<100x100xf32>
    %mul3A_27 = vector.broadcast %rsqrt3A : vector<100x1xf32> to vector<100x100xf32>
    %mul3A_28 = arith.mulf %convert_element_type3A_1, %mul3A_27 : vector<100x100xf32>
    %dot_general3A = arith.constant dense<0.000000e+00> : vector<100x100xf32>
    %dot_general3A_29 = tpu.matmul %mul3A_26, %mul3A_28, %dot_general3A {dimension_numbers = #tpu.dot_dimension_numbers<[1], [0], [0], [1], [0, 0, 1, 1], [], []>, precision = #tpu.contract_precision<fp32>, transpose_lhs_hint = false} : vector<100x100xf32>, vector<100x100xf32>, vector<100x100xf32> -> vector<100x100xf32>
    %div3A = arith.constant 1.000000e+00 : f32
    %div3A_30 = vector.broadcast %div3A : f32 to vector<100x1xf32>
    %div3A_31 = arith.divf %div3A_30, %add3A_24 : vector<100x1xf32>
    %mul3A_32 = vector.broadcast %div3A_31 : vector<100x1xf32> to vector<100x100xf32>
    %mul3A_33 = arith.mulf %convert_element_type3A_1, %mul3A_32 : vector<100x100xf32>
    %add3A_34 = arith.addf %dot_general3A_29, %mul3A_33 : vector<100x100xf32>
    %mul3A_35 = arith.mulf %get3A_3, %convert_element_type3A_21 : vector<100x100xf32>
    %reduce_sum3A_36 = arith.constant dense<0.000000e+00> : vector<100xf32>
    %reduce_sum3A_37 = vector.multi_reduction <add>, %mul3A_35, %reduce_sum3A_36 [1] : vector<100x100xf32> to vector<100xf32>
    %broadcast_in_dim3A_38 = vector.shape_cast %reduce_sum3A_37 : vector<100xf32> to vector<100x1xf32>
    %add3A_39 = arith.constant 1.000000e+00 : f32
    %add3A_40 = vector.broadcast %add3A_39 : f32 to vector<100x1xf32>
    %add3A_41 = arith.addf %broadcast_in_dim3A_38, %add3A_40 : vector<100x1xf32>
    %rsqrt3A_42 = math.rsqrt %add3A_41 : vector<100x1xf32>
    %mul3A_43 = vector.broadcast %rsqrt3A_42 : vector<100x1xf32> to vector<100x100xf32>
    %mul3A_44 = arith.mulf %mul3A_43, %mul3A_35 : vector<100x100xf32>
    %mul3A_45 = vector.broadcast %rsqrt3A_42 : vector<100x1xf32> to vector<100x100xf32>
    %mul3A_46 = arith.mulf %convert_element_type3A_1, %mul3A_45 : vector<100x100xf32>
    %dot_general3A_47 = arith.constant dense<0.000000e+00> : vector<100x100xf32>
    %dot_general3A_48 = tpu.matmul %mul3A_44, %mul3A_46, %dot_general3A_47 {dimension_numbers = #tpu.dot_dimension_numbers<[1], [0], [0], [1], [0, 0, 1, 1], [], []>, precision = #tpu.contract_precision<fp32>, transpose_lhs_hint = false} : vector<100x100xf32>, vector<100x100xf32>, vector<100x100xf32> -> vector<100x100xf32>
    %div3A_49 = arith.constant 1.000000e+00 : f32
    %div3A_50 = vector.broadcast %div3A_49 : f32 to vector<100x1xf32>
    %div3A_51 = arith.divf %div3A_50, %add3A_41 : vector<100x1xf32>
    %mul3A_52 = vector.broadcast %div3A_51 : vector<100x1xf32> to vector<100x100xf32>
    %mul3A_53 = arith.mulf %convert_element_type3A_1, %mul3A_52 : vector<100x100xf32>
    %add3A_54 = arith.addf %dot_general3A_48, %mul3A_53 : vector<100x100xf32>
    %reduce_sum3A_55 = arith.constant dense<0.000000e+00> : vector<100xf32>
    %reduce_sum3A_56 = vector.multi_reduction <add>, %get3A_3, %reduce_sum3A_55 [1] : vector<100x100xf32> to vector<100xf32>
    %broadcast_in_dim3A_57 = vector.shape_cast %reduce_sum3A_56 : vector<100xf32> to vector<100x1xf32>
    %add3A_58 = arith.constant 1.000000e+00 : f32
    %add3A_59 = vector.broadcast %add3A_58 : f32 to vector<100x1xf32>
    %add3A_60 = arith.addf %broadcast_in_dim3A_57, %add3A_59 : vector<100x1xf32>
    %rsqrt3A_61 = math.rsqrt %add3A_60 : vector<100x1xf32>
    %mul3A_62 = vector.broadcast %rsqrt3A_61 : vector<100x1xf32> to vector<100x100xf32>
    %mul3A_63 = arith.mulf %mul3A_62, %get3A_3 : vector<100x100xf32>
    %mul3A_64 = vector.broadcast %rsqrt3A_61 : vector<100x1xf32> to vector<100x100xf32>
    %mul3A_65 = arith.mulf %convert_element_type3A_1, %mul3A_64 : vector<100x100xf32>
    %dot_general3A_66 = arith.constant dense<0.000000e+00> : vector<100x100xf32>
    %dot_general3A_67 = tpu.matmul %mul3A_63, %mul3A_65, %dot_general3A_66 {dimension_numbers = #tpu.dot_dimension_numbers<[1], [0], [0], [1], [0, 0, 1, 1], [], []>, precision = #tpu.contract_precision<fp32>, transpose_lhs_hint = false} : vector<100x100xf32>, vector<100x100xf32>, vector<100x100xf32> -> vector<100x100xf32>
    %div3A_68 = arith.constant 1.000000e+00 : f32
    %div3A_69 = vector.broadcast %div3A_68 : f32 to vector<100x1xf32>
    %div3A_70 = arith.divf %div3A_69, %add3A_60 : vector<100x1xf32>
    %mul3A_71 = vector.broadcast %div3A_70 : vector<100x1xf32> to vector<100x100xf32>
    %mul3A_72 = arith.mulf %convert_element_type3A_1, %mul3A_71 : vector<100x100xf32>
    %add3A_73 = arith.addf %dot_general3A_67, %mul3A_72 : vector<100x100xf32>
    %get3A_74 = arith.constant 0 : index
    %get3A_75 = arith.constant 0 : index
    %get3A_76 = vector.load %arg2[%get3A_74, %get3A_75] : memref<100x100xf32, #tpu.memory_space<vmem>>, vector<100x100xf32>
    %iota3A_77 = tpu.iota {dimensions = array<i32: 0>} : vector<100x1xi32>
    %lt3A_78 = arith.constant 50 : i32
    %lt3A_79 = vector.broadcast %lt3A_78 : i32 to vector<100x1xi32>
    %lt3A_80 = arith.cmpi slt, %iota3A_77, %lt3A_79 : vector<100x1xi32>
    %get3A_81 = arith.constant 0 : index
    %get3A_82 = arith.constant 0 : index
    %get3A_83 = vector.load %arg3[%get3A_81, %get3A_82] : memref<100x64xf32, #tpu.memory_space<vmem>>, vector<100x64xf32>
    %dot_general3A_84 = arith.constant dense<0.000000e+00> : vector<100x64xf32>
    %dot_general3A_85 = tpu.matmul %get3A_76, %get3A_83, %dot_general3A_84 {dimension_numbers = #tpu.dot_dimension_numbers<[1], [0], [0], [1], [0, 0, 1, 1], [], []>, transpose_lhs_hint = false} : vector<100x100xf32>, vector<100x64xf32>, vector<100x64xf32> -> vector<100x64xf32>
    %dot_general3A_86 = arith.constant dense<0.000000e+00> : vector<100x64xf32>
    %dot_general3A_87 = tpu.matmul %add3A_34, %dot_general3A_85, %dot_general3A_86 {dimension_numbers = #tpu.dot_dimension_numbers<[1], [0], [0], [1], [0, 0, 1, 1], [], []>, precision = #tpu.contract_precision<fp32>, transpose_lhs_hint = false} : vector<100x100xf32>, vector<100x64xf32>, vector<100x64xf32> -> vector<100x64xf32>
    %get3A_88 = arith.constant 0 : index
    %get3A_89 = arith.constant 0 : index
    %get3A_90 = vector.load %arg4[%get3A_88, %get3A_89] : memref<1x64xf32, #tpu.memory_space<vmem>>, vector<1x64xf32>
    %add3A_91 = vector.broadcast %get3A_90 : vector<1x64xf32> to vector<100x64xf32>
    %add3A_92 = arith.addf %dot_general3A_87, %add3A_91 : vector<100x64xf32>
    %ge3A_93 = arith.constant 0.000000e+00 : f32
    %ge3A_94 = vector.broadcast %ge3A_93 : f32 to vector<100x64xf32>
    %ge3A_95 = arith.cmpf oge, %add3A_92, %ge3A_94 : vector<100x64xf32>
    %mul3A_96 = arith.constant 0.00999999977 : f32
    %mul3A_97 = vector.broadcast %mul3A_96 : f32 to vector<100x64xf32>
    %mul3A_98 = arith.mulf %mul3A_97, %add3A_92 : vector<100x64xf32>
    %select_n3A = arith.select %ge3A_95, %add3A_92, %mul3A_98 : vector<100x64xi1>, vector<100x64xf32>
    %get3A_99 = arith.constant 0 : index
    %get3A_100 = arith.constant 0 : index
    %get3A_101 = vector.load %arg5[%get3A_99, %get3A_100] : memref<100x64xf32, #tpu.memory_space<vmem>>, vector<100x64xf32>
    %dot_general3A_102 = arith.constant dense<0.000000e+00> : vector<100x64xf32>
    %dot_general3A_103 = tpu.matmul %get3A_76, %get3A_101, %dot_general3A_102 {dimension_numbers = #tpu.dot_dimension_numbers<[1], [0], [0], [1], [0, 0, 1, 1], [], []>, transpose_lhs_hint = false} : vector<100x100xf32>, vector<100x64xf32>, vector<100x64xf32> -> vector<100x64xf32>
    %dot_general3A_104 = arith.constant dense<0.000000e+00> : vector<100x64xf32>
    %dot_general3A_105 = tpu.matmul %add3A_54, %dot_general3A_103, %dot_general3A_104 {dimension_numbers = #tpu.dot_dimension_numbers<[1], [0], [0], [1], [0, 0, 1, 1], [], []>, precision = #tpu.contract_precision<fp32>, transpose_lhs_hint = false} : vector<100x100xf32>, vector<100x64xf32>, vector<100x64xf32> -> vector<100x64xf32>
    %get3A_106 = arith.constant 0 : index
    %get3A_107 = arith.constant 0 : index
    %get3A_108 = vector.load %arg6[%get3A_106, %get3A_107] : memref<1x64xf32, #tpu.memory_space<vmem>>, vector<1x64xf32>
    %add3A_109 = vector.broadcast %get3A_108 : vector<1x64xf32> to vector<100x64xf32>
    %add3A_110 = arith.addf %dot_general3A_105, %add3A_109 : vector<100x64xf32>
    %ge3A_111 = arith.constant 0.000000e+00 : f32
    %ge3A_112 = vector.broadcast %ge3A_111 : f32 to vector<100x64xf32>
    %ge3A_113 = arith.cmpf oge, %add3A_110, %ge3A_112 : vector<100x64xf32>
    %mul3A_114 = arith.constant 0.00999999977 : f32
    %mul3A_115 = vector.broadcast %mul3A_114 : f32 to vector<100x64xf32>
    %mul3A_116 = arith.mulf %mul3A_115, %add3A_110 : vector<100x64xf32>
    %select_n3A_117 = arith.select %ge3A_113, %add3A_110, %mul3A_116 : vector<100x64xi1>, vector<100x64xf32>
    %broadcast_in_dim3A_118 = vector.shape_cast %lt3A_80 : vector<100x1xi1> to vector<100x1xi1>
    %broadcast_in_dim3A_119 = vector.broadcast %broadcast_in_dim3A_118 : vector<100x1xi1> to vector<100x64xi1>
    %select_n3A_120 = arith.select %broadcast_in_dim3A_119, %select_n3A, %select_n3A_117 : vector<100x64xi1>, vector<100x64xf32>
    %get3A_121 = arith.constant 0 : index
    %get3A_122 = arith.constant 0 : index
    %get3A_123 = vector.load %arg7[%get3A_121, %get3A_122] : memref<64x20xf32, #tpu.memory_space<vmem>>, vector<64x20xf32>
    %dot_general3A_124 = arith.constant dense<0.000000e+00> : vector<100x20xf32>
    %dot_general3A_125 = tpu.matmul %select_n3A_120, %get3A_123, %dot_general3A_124 {dimension_numbers = #tpu.dot_dimension_numbers<[1], [0], [0], [1], [0, 0, 1, 1], [], []>, transpose_lhs_hint = false} : vector<100x64xf32>, vector<64x20xf32>, vector<100x20xf32> -> vector<100x20xf32>
    %dot_general3A_126 = arith.constant dense<0.000000e+00> : vector<100x20xf32>
    %dot_general3A_127 = tpu.matmul %add3A_34, %dot_general3A_125, %dot_general3A_126 {dimension_numbers = #tpu.dot_dimension_numbers<[1], [0], [0], [1], [0, 0, 1, 1], [], []>, precision = #tpu.contract_precision<fp32>, transpose_lhs_hint = false} : vector<100x100xf32>, vector<100x20xf32>, vector<100x20xf32> -> vector<100x20xf32>
    %get3A_128 = arith.constant 0 : index
    %get3A_129 = arith.constant 0 : index
    %get3A_130 = vector.load %arg8[%get3A_128, %get3A_129] : memref<1x20xf32, #tpu.memory_space<vmem>>, vector<1x20xf32>
    %add3A_131 = vector.broadcast %get3A_130 : vector<1x20xf32> to vector<100x20xf32>
    %add3A_132 = arith.addf %dot_general3A_127, %add3A_131 : vector<100x20xf32>
    %ge3A_133 = arith.constant 0.000000e+00 : f32
    %ge3A_134 = vector.broadcast %ge3A_133 : f32 to vector<100x20xf32>
    %ge3A_135 = arith.cmpf oge, %add3A_132, %ge3A_134 : vector<100x20xf32>
    %mul3A_136 = arith.constant 0.00999999977 : f32
    %mul3A_137 = vector.broadcast %mul3A_136 : f32 to vector<100x20xf32>
    %mul3A_138 = arith.mulf %mul3A_137, %add3A_132 : vector<100x20xf32>
    %select_n3A_139 = arith.select %ge3A_135, %add3A_132, %mul3A_138 : vector<100x20xi1>, vector<100x20xf32>
    %get3A_140 = arith.constant 0 : index
    %get3A_141 = arith.constant 0 : index
    %get3A_142 = vector.load %arg9[%get3A_140, %get3A_141] : memref<64x20xf32, #tpu.memory_space<vmem>>, vector<64x20xf32>
    %dot_general3A_143 = arith.constant dense<0.000000e+00> : vector<100x20xf32>
    %dot_general3A_144 = tpu.matmul %select_n3A_120, %get3A_142, %dot_general3A_143 {dimension_numbers = #tpu.dot_dimension_numbers<[1], [0], [0], [1], [0, 0, 1, 1], [], []>, transpose_lhs_hint = false} : vector<100x64xf32>, vector<64x20xf32>, vector<100x20xf32> -> vector<100x20xf32>
    %dot_general3A_145 = arith.constant dense<0.000000e+00> : vector<100x20xf32>
    %dot_general3A_146 = tpu.matmul %add3A_54, %dot_general3A_144, %dot_general3A_145 {dimension_numbers = #tpu.dot_dimension_numbers<[1], [0], [0], [1], [0, 0, 1, 1], [], []>, precision = #tpu.contract_precision<fp32>, transpose_lhs_hint = false} : vector<100x100xf32>, vector<100x20xf32>, vector<100x20xf32> -> vector<100x20xf32>
    %get3A_147 = arith.constant 0 : index
    %get3A_148 = arith.constant 0 : index
    %get3A_149 = vector.load %arg10[%get3A_147, %get3A_148] : memref<1x20xf32, #tpu.memory_space<vmem>>, vector<1x20xf32>
    %add3A_150 = vector.broadcast %get3A_149 : vector<1x20xf32> to vector<100x20xf32>
    %add3A_151 = arith.addf %dot_general3A_146, %add3A_150 : vector<100x20xf32>
    %ge3A_152 = arith.constant 0.000000e+00 : f32
    %ge3A_153 = vector.broadcast %ge3A_152 : f32 to vector<100x20xf32>
    %ge3A_154 = arith.cmpf oge, %add3A_151, %ge3A_153 : vector<100x20xf32>
    %mul3A_155 = arith.constant 0.00999999977 : f32
    %mul3A_156 = vector.broadcast %mul3A_155 : f32 to vector<100x20xf32>
    %mul3A_157 = arith.mulf %mul3A_156, %add3A_151 : vector<100x20xf32>
    %select_n3A_158 = arith.select %ge3A_154, %add3A_151, %mul3A_157 : vector<100x20xi1>, vector<100x20xf32>
    %broadcast_in_dim3A_159 = vector.shape_cast %lt3A_80 : vector<100x1xi1> to vector<100x1xi1>
    %broadcast_in_dim3A_160 = vector.broadcast %broadcast_in_dim3A_159 : vector<100x1xi1> to vector<100x20xi1>
    %select_n3A_161 = arith.select %broadcast_in_dim3A_160, %select_n3A_139, %select_n3A_158 : vector<100x20xi1>, vector<100x20xf32>
    %get3A_162 = arith.constant 0 : index
    %get3A_163 = arith.constant 0 : index
    %get3A_164 = vector.load %arg11[%get3A_162, %get3A_163] : memref<20x20xf32, #tpu.memory_space<vmem>>, vector<20x20xf32>
    %dot_general3A_165 = arith.constant dense<0.000000e+00> : vector<100x20xf32>
    %dot_general3A_166 = tpu.matmul %select_n3A_161, %get3A_164, %dot_general3A_165 {dimension_numbers = #tpu.dot_dimension_numbers<[1], [0], [0], [1], [0, 0, 1, 1], [], []>, transpose_lhs_hint = false} : vector<100x20xf32>, vector<20x20xf32>, vector<100x20xf32> -> vector<100x20xf32>
    %dot_general3A_167 = arith.constant dense<0.000000e+00> : vector<100x20xf32>
    %dot_general3A_168 = tpu.matmul %add3A_73, %dot_general3A_166, %dot_general3A_167 {dimension_numbers = #tpu.dot_dimension_numbers<[1], [0], [0], [1], [0, 0, 1, 1], [], []>, precision = #tpu.contract_precision<fp32>, transpose_lhs_hint = false} : vector<100x100xf32>, vector<100x20xf32>, vector<100x20xf32> -> vector<100x20xf32>
    %get3A_169 = arith.constant 0 : index
    %get3A_170 = arith.constant 0 : index
    %get3A_171 = vector.load %arg12[%get3A_169, %get3A_170] : memref<1x20xf32, #tpu.memory_space<vmem>>, vector<1x20xf32>
    %add3A_172 = vector.broadcast %get3A_171 : vector<1x20xf32> to vector<100x20xf32>
    %add3A_173 = arith.addf %dot_general3A_168, %add3A_172 : vector<100x20xf32>
    %ge3A_174 = arith.constant 0.000000e+00 : f32
    %ge3A_175 = vector.broadcast %ge3A_174 : f32 to vector<100x20xf32>
    %ge3A_176 = arith.cmpf oge, %add3A_173, %ge3A_175 : vector<100x20xf32>
    %mul3A_177 = arith.constant 0.00999999977 : f32
    %mul3A_178 = vector.broadcast %mul3A_177 : f32 to vector<100x20xf32>
    %mul3A_179 = arith.mulf %mul3A_178, %add3A_173 : vector<100x20xf32>
    %select_n3A_180 = arith.select %ge3A_176, %add3A_173, %mul3A_179 : vector<100x20xi1>, vector<100x20xf32>
    %dot_general3A_181 = arith.constant dense<0.000000e+00> : vector<100x20xf32>
    %dot_general3A_182 = tpu.matmul %get3A_6, %select_n3A_180, %dot_general3A_181 {dimension_numbers = #tpu.dot_dimension_numbers<[1], [0], [0], [1], [0, 0, 1, 1], [], []>, precision = #tpu.contract_precision<fp32>, transpose_lhs_hint = false} : vector<100x100xf32>, vector<100x20xf32>, vector<100x20xf32> -> vector<100x20xf32>
    %get3A_183 = arith.constant 0 : index
    %get3A_184 = arith.constant 0 : index
    %get3A_185 = vector.load %arg13[%get3A_183, %get3A_184] : memref<20x1xf32, #tpu.memory_space<vmem>>, vector<20x1xf32>
    %dot_general3A_186 = arith.constant dense<0.000000e+00> : vector<100x1xf32>
    %dot_general3A_187 = tpu.matmul %dot_general3A_182, %get3A_185, %dot_general3A_186 {dimension_numbers = #tpu.dot_dimension_numbers<[1], [0], [0], [1], [0, 0, 1, 1], [], []>, transpose_lhs_hint = false} : vector<100x20xf32>, vector<20x1xf32>, vector<100x1xf32> -> vector<100x1xf32>
    %get3A_188 = arith.constant 0 : index
    %get3A_189 = arith.constant 0 : index
    %get3A_190 = vector.load %arg14[%get3A_188, %get3A_189] : memref<1x1xf32, #tpu.memory_space<vmem>>, vector<1x1xf32>
    %add3A_191 = vector.broadcast %get3A_190 : vector<1x1xf32> to vector<100x1xf32>
    %add3A_192 = arith.addf %dot_general3A_187, %add3A_191 : vector<100x1xf32>
    %get3A_193 = arith.constant 0 : index
    %get3A_194 = arith.constant 0 : index
    %get3A_195 = vector.load %arg15[%get3A_193, %get3A_194] : memref<20x1xf32, #tpu.memory_space<vmem>>, vector<20x1xf32>
    %dot_general3A_196 = arith.constant dense<0.000000e+00> : vector<100x1xf32>
    %dot_general3A_197 = tpu.matmul %select_n3A_180, %get3A_195, %dot_general3A_196 {dimension_numbers = #tpu.dot_dimension_numbers<[1], [0], [0], [1], [0, 0, 1, 1], [], []>, transpose_lhs_hint = false} : vector<100x20xf32>, vector<20x1xf32>, vector<100x1xf32> -> vector<100x1xf32>
    %add3A_198 = arith.addf %add3A_192, %dot_general3A_197 : vector<100x1xf32>
    %tanh3A = math.tanh %add3A_198 : vector<100x1xf32>
    %broadcast_in_dim3A_199 = arith.constant 1.000000e+00 : f32
    %broadcast_in_dim3A_200 = vector.broadcast %broadcast_in_dim3A_199 : f32 to vector<1x100xf32>
    %mul3A_201 = vector.broadcast %tanh3A : vector<100x1xf32> to vector<100x100xf32>
    %mul3A_202 = arith.mulf %convert_element_type3A_1, %mul3A_201 : vector<100x100xf32>
    %dot_general3A_203 = arith.constant dense<0.000000e+00> : vector<1x100xf32>
    %dot_general3A_204 = tpu.matmul %broadcast_in_dim3A_200, %mul3A_202, %dot_general3A_203 {dimension_numbers = #tpu.dot_dimension_numbers<[1], [0], [0], [1], [0, 0, 1, 1], [], []>, precision = #tpu.contract_precision<fp32>, transpose_lhs_hint = false} : vector<1x100xf32>, vector<100x100xf32>, vector<1x100xf32> -> vector<1x100xf32>
    %gt3A = vector.broadcast %dot_general3A_204 : vector<1x100xf32> to vector<100x100xf32>
    %gt3A_205 = vector.broadcast %tanh3A : vector<100x1xf32> to vector<100x100xf32>
    %gt3A_206 = arith.cmpf ogt, %gt3A, %gt3A_205 : vector<100x100xf32>
    %eq3A_207 = vector.broadcast %dot_general3A_204 : vector<1x100xf32> to vector<100x100xf32>
    %eq3A_208 = vector.broadcast %tanh3A : vector<100x1xf32> to vector<100x100xf32>
    %eq3A_209 = arith.cmpf oeq, %eq3A_207, %eq3A_208 : vector<100x100xf32>
    %lt3A_210 = arith.cmpi slt, %iota3A_0, %iota3A : vector<100x100xi32>
    %and3A_211 = arith.andi %eq3A_209, %lt3A_210 : vector<100x100xi1>
    %or3A = arith.ori %gt3A_206, %and3A_211 : vector<100x100xi1>
    %convert_element_type3A_212 = arith.extui %or3A : vector<100x100xi1> to vector<100x100xi32>
    %convert_element_type3A_213 = arith.sitofp %convert_element_type3A_212 : vector<100x100xi32> to vector<100x100xf32>
    %reduce_sum3A_214 = arith.constant dense<0.000000e+00> : vector<100xf32>
    %reduce_sum3A_215 = vector.multi_reduction <add>, %convert_element_type3A_213, %reduce_sum3A_214 [1] : vector<100x100xf32> to vector<100xf32>
    %broadcast_in_dim3A_216 = vector.shape_cast %reduce_sum3A_215 : vector<100xf32> to vector<100x1xf32>
    %mul3A_217 = vector.broadcast %broadcast_in_dim3A_216 : vector<100x1xf32> to vector<100x100xf32>
    %mul3A_218 = arith.mulf %convert_element_type3A_1, %mul3A_217 : vector<100x100xf32>
    %dot_general3A_219 = arith.constant dense<0.000000e+00> : vector<1x100xf32>
    %dot_general3A_220 = tpu.matmul %broadcast_in_dim3A_200, %mul3A_218, %dot_general3A_219 {dimension_numbers = #tpu.dot_dimension_numbers<[1], [0], [0], [1], [0, 0, 1, 1], [], []>, precision = #tpu.contract_precision<fp32>, transpose_lhs_hint = false} : vector<1x100xf32>, vector<100x100xf32>, vector<1x100xf32> -> vector<1x100xf32>
    %convert_element_type3A_221 = arith.fptosi %broadcast_in_dim3A_216 : vector<100x1xf32> to vector<100x1xi32>
    %convert_element_type3A_222 = arith.fptosi %dot_general3A_220 : vector<1x100xf32> to vector<1x100xi32>
    %iota3A_223 = tpu.iota {dimensions = array<i32: 0>} : vector<50x100xi32>
    %eq3A_224 = vector.broadcast %convert_element_type3A_222 : vector<1x100xi32> to vector<50x100xi32>
    %eq3A_225 = arith.cmpi eq, %eq3A_224, %iota3A_223 : vector<50x100xi32>
    %convert_element_type3A_226 = arith.extui %eq3A_225 : vector<50x100xi1> to vector<50x100xi32>
    %convert_element_type3A_227 = arith.sitofp %convert_element_type3A_226 : vector<50x100xi32> to vector<50x100xf32>
    %iota3A_228 = tpu.iota {dimensions = array<i32: 1>} : vector<100x50xi32>
    %eq3A_229 = vector.broadcast %convert_element_type3A_221 : vector<100x1xi32> to vector<100x50xi32>
    %eq3A_230 = arith.cmpi eq, %eq3A_229, %iota3A_228 : vector<100x50xi32>
    %convert_element_type3A_231 = arith.extui %eq3A_230 : vector<100x50xi1> to vector<100x50xi32>
    %convert_element_type3A_232 = arith.sitofp %convert_element_type3A_231 : vector<100x50xi32> to vector<100x50xf32>
    %dot_general3A_233 = arith.constant dense<0.000000e+00> : vector<50x1xf32>
    %dot_general3A_234 = tpu.matmul %convert_element_type3A_227, %tanh3A, %dot_general3A_233 {dimension_numbers = #tpu.dot_dimension_numbers<[1], [0], [0], [1], [0, 0, 1, 1], [], []>, precision = #tpu.contract_precision<fp32>, transpose_lhs_hint = false} : vector<50x100xf32>, vector<100x1xf32>, vector<50x1xf32> -> vector<50x1xf32>
    %dot_general3A_235 = arith.constant dense<0.000000e+00> : vector<50x20xf32>
    %dot_general3A_236 = tpu.matmul %convert_element_type3A_227, %select_n3A_180, %dot_general3A_235 {dimension_numbers = #tpu.dot_dimension_numbers<[1], [0], [0], [1], [0, 0, 1, 1], [], []>, precision = #tpu.contract_precision<fp32>, transpose_lhs_hint = false} : vector<50x100xf32>, vector<100x20xf32>, vector<50x20xf32> -> vector<50x20xf32>
    %mul3A_237 = vector.broadcast %dot_general3A_234 : vector<50x1xf32> to vector<50x20xf32>
    %mul3A_238 = arith.mulf %dot_general3A_236, %mul3A_237 : vector<50x20xf32>
    %dot_general3A_239 = arith.constant dense<0.000000e+00> : vector<50x100xf32>
    %dot_general3A_240 = tpu.matmul %convert_element_type3A_227, %get3A_6, %dot_general3A_239 {dimension_numbers = #tpu.dot_dimension_numbers<[1], [0], [0], [1], [0, 0, 1, 1], [], []>, precision = #tpu.contract_precision<fp32>, transpose_lhs_hint = false} : vector<50x100xf32>, vector<100x100xf32>, vector<50x100xf32> -> vector<50x100xf32>
    %dot_general3A_241 = arith.constant dense<0.000000e+00> : vector<50x50xf32>
    %dot_general3A_242 = tpu.matmul %dot_general3A_240, %convert_element_type3A_232, %dot_general3A_241 {dimension_numbers = #tpu.dot_dimension_numbers<[1], [0], [0], [1], [0, 0, 1, 1], [], []>, precision = #tpu.contract_precision<fp32>, transpose_lhs_hint = false} : vector<50x100xf32>, vector<100x50xf32>, vector<50x50xf32> -> vector<50x50xf32>
    %reduce_sum3A_243 = arith.constant dense<0.000000e+00> : vector<50xf32>
    %reduce_sum3A_244 = vector.multi_reduction <add>, %dot_general3A_242, %reduce_sum3A_243 [1] : vector<50x50xf32> to vector<50xf32>
    %broadcast_in_dim3A_245 = vector.shape_cast %reduce_sum3A_244 : vector<50xf32> to vector<50x1xf32>
    %gt3A_246 = arith.constant 0.000000e+00 : f32
    %gt3A_247 = vector.broadcast %gt3A_246 : f32 to vector<50x1xf32>
    %gt3A_248 = arith.cmpf ogt, %broadcast_in_dim3A_245, %gt3A_247 : vector<50x1xf32>
    %jit3A = arith.constant 1.000000e+00 : f32
    %broadcast_in_dim3A_249 = vector.broadcast %jit3A : f32 to vector<50x1xf32>
    %select_n3A_250 = arith.select %gt3A_248, %broadcast_in_dim3A_245, %broadcast_in_dim3A_249 : vector<50x1xi1>, vector<50x1xf32>
    %rsqrt3A_251 = math.rsqrt %select_n3A_250 : vector<50x1xf32>
    %jit3A_252 = arith.constant 0.000000e+00 : f32
    %broadcast_in_dim3A_253 = vector.broadcast %jit3A_252 : f32 to vector<50x1xf32>
    %select_n3A_254 = arith.select %gt3A_248, %rsqrt3A_251, %broadcast_in_dim3A_253 : vector<50x1xi1>, vector<50x1xf32>
    %iota3A_255 = tpu.iota {dimensions = array<i32: 0>} : vector<50x50xi32>
    %iota3A_256 = tpu.iota {dimensions = array<i32: 1>} : vector<50x50xi32>
    %eq3A_257 = arith.cmpi eq, %iota3A_255, %iota3A_256 : vector<50x50xi32>
    %convert_element_type3A_258 = arith.extui %eq3A_257 : vector<50x50xi1> to vector<50x50xi32>
    %convert_element_type3A_259 = arith.sitofp %convert_element_type3A_258 : vector<50x50xi32> to vector<50x50xf32>
    %mul3A_260 = vector.broadcast %select_n3A_254 : vector<50x1xf32> to vector<50x50xf32>
    %mul3A_261 = arith.mulf %mul3A_260, %dot_general3A_242 : vector<50x50xf32>
    %mul3A_262 = vector.broadcast %select_n3A_254 : vector<50x1xf32> to vector<50x50xf32>
    %mul3A_263 = arith.mulf %convert_element_type3A_259, %mul3A_262 : vector<50x50xf32>
    %dot_general3A_264 = arith.constant dense<0.000000e+00> : vector<50x50xf32>
    %dot_general3A_265 = tpu.matmul %mul3A_261, %mul3A_263, %dot_general3A_264 {dimension_numbers = #tpu.dot_dimension_numbers<[1], [0], [0], [1], [0, 0, 1, 1], [], []>, precision = #tpu.contract_precision<fp32>, transpose_lhs_hint = false} : vector<50x50xf32>, vector<50x50xf32>, vector<50x50xf32> -> vector<50x50xf32>
    %neg3A = arith.constant 0.000000e+00 : f32
    %neg3A_266 = vector.broadcast %neg3A : f32 to vector<50x50xf32>
    %neg3A_267 = arith.subf %neg3A_266, %dot_general3A_265 : vector<50x50xf32>
    %iota3A_268 = tpu.iota {dimensions = array<i32: 0>} : vector<50x100xi32>
    %iota3A_269 = tpu.iota {dimensions = array<i32: 1>} : vector<50x100xi32>
    %eq3A_270 = arith.cmpi eq, %iota3A_268, %iota3A_269 : vector<50x100xi32>
    %convert_element_type3A_271 = arith.extui %eq3A_270 : vector<50x100xi1> to vector<50x100xi32>
    %convert_element_type3A_272 = arith.sitofp %convert_element_type3A_271 : vector<50x100xi32> to vector<50x100xf32>
    %iota3A_273 = tpu.iota {dimensions = array<i32: 0>} : vector<100x50xi32>
    %iota3A_274 = tpu.iota {dimensions = array<i32: 1>} : vector<100x50xi32>
    %eq3A_275 = arith.cmpi eq, %iota3A_273, %iota3A_274 : vector<100x50xi32>
    %convert_element_type3A_276 = arith.extui %eq3A_275 : vector<100x50xi1> to vector<100x50xi32>
    %convert_element_type3A_277 = arith.sitofp %convert_element_type3A_276 : vector<100x50xi32> to vector<100x50xf32>
    %dot_general3A_278 = arith.constant dense<0.000000e+00> : vector<50x20xf32>
    %dot_general3A_279 = tpu.matmul %convert_element_type3A_272, %select_n3A_180, %dot_general3A_278 {dimension_numbers = #tpu.dot_dimension_numbers<[1], [0], [0], [1], [0, 0, 1, 1], [], []>, precision = #tpu.contract_precision<fp32>, transpose_lhs_hint = false} : vector<50x100xf32>, vector<100x20xf32>, vector<50x20xf32> -> vector<50x20xf32>
    %dot_general3A_280 = arith.constant dense<0.000000e+00> : vector<50x20xf32>
    %dot_general3A_281 = tpu.matmul %neg3A_267, %dot_general3A_279, %dot_general3A_280 {dimension_numbers = #tpu.dot_dimension_numbers<[1], [0], [0], [1], [0, 0, 1, 1], [], []>, precision = #tpu.contract_precision<fp32>, transpose_lhs_hint = false} : vector<50x50xf32>, vector<50x20xf32>, vector<50x20xf32> -> vector<50x20xf32>
    %dot_general3A_282 = arith.constant dense<0.000000e+00> : vector<100x20xf32>
    %dot_general3A_283 = tpu.matmul %convert_element_type3A_277, %dot_general3A_281, %dot_general3A_282 {dimension_numbers = #tpu.dot_dimension_numbers<[1], [0], [0], [1], [0, 0, 1, 1], [], []>, precision = #tpu.contract_precision<fp32>, transpose_lhs_hint = false} : vector<100x50xf32>, vector<50x20xf32>, vector<100x20xf32> -> vector<100x20xf32>
    %dot_general3A_284 = arith.constant dense<0.000000e+00> : vector<50x20xf32>
    %dot_general3A_285 = tpu.matmul %neg3A_267, %dot_general3A_281, %dot_general3A_284 {dimension_numbers = #tpu.dot_dimension_numbers<[1], [0], [0], [1], [0, 0, 1, 1], [], []>, precision = #tpu.contract_precision<fp32>, transpose_lhs_hint = false} : vector<50x50xf32>, vector<50x20xf32>, vector<50x20xf32> -> vector<50x20xf32>
    %dot_general3A_286 = arith.constant dense<0.000000e+00> : vector<100x20xf32>
    %dot_general3A_287 = tpu.matmul %convert_element_type3A_277, %dot_general3A_285, %dot_general3A_286 {dimension_numbers = #tpu.dot_dimension_numbers<[1], [0], [0], [1], [0, 0, 1, 1], [], []>, precision = #tpu.contract_precision<fp32>, transpose_lhs_hint = false} : vector<100x50xf32>, vector<50x20xf32>, vector<100x20xf32> -> vector<100x20xf32>
    %mul3A_288 = arith.constant 2.000000e+00 : f32
    %mul3A_289 = vector.broadcast %mul3A_288 : f32 to vector<100x20xf32>
    %mul3A_290 = arith.mulf %mul3A_289, %dot_general3A_287 : vector<100x20xf32>
    %sub3A = arith.subf %mul3A_290, %select_n3A_180 : vector<100x20xf32>
    %get3A_291 = arith.constant 0 : index
    %get3A_292 = arith.constant 0 : index
    %get3A_293 = vector.load %arg16[%get3A_291, %get3A_292] : memref<20x50xf32, #tpu.memory_space<vmem>>, vector<20x50xf32>
    %dot_general3A_294 = arith.constant dense<0.000000e+00> : vector<100x50xf32>
    %dot_general3A_295 = tpu.matmul %select_n3A_180, %get3A_293, %dot_general3A_294 {dimension_numbers = #tpu.dot_dimension_numbers<[1], [0], [0], [1], [0, 0, 1, 1], [], []>, transpose_lhs_hint = false} : vector<100x20xf32>, vector<20x50xf32>, vector<100x50xf32> -> vector<100x50xf32>
    %get3A_296 = arith.constant 0 : index
    %get3A_297 = arith.constant 0 : index
    %get3A_298 = vector.load %arg17[%get3A_296, %get3A_297] : memref<20x50xf32, #tpu.memory_space<vmem>>, vector<20x50xf32>
    %dot_general3A_299 = arith.constant dense<0.000000e+00> : vector<100x50xf32>
    %dot_general3A_300 = tpu.matmul %dot_general3A_283, %get3A_298, %dot_general3A_299 {dimension_numbers = #tpu.dot_dimension_numbers<[1], [0], [0], [1], [0, 0, 1, 1], [], []>, transpose_lhs_hint = false} : vector<100x20xf32>, vector<20x50xf32>, vector<100x50xf32> -> vector<100x50xf32>
    %add3A_301 = arith.addf %dot_general3A_295, %dot_general3A_300 : vector<100x50xf32>
    %get3A_302 = arith.constant 0 : index
    %get3A_303 = arith.constant 0 : index
    %get3A_304 = vector.load %arg18[%get3A_302, %get3A_303] : memref<20x50xf32, #tpu.memory_space<vmem>>, vector<20x50xf32>
    %dot_general3A_305 = arith.constant dense<0.000000e+00> : vector<100x50xf32>
    %dot_general3A_306 = tpu.matmul %sub3A, %get3A_304, %dot_general3A_305 {dimension_numbers = #tpu.dot_dimension_numbers<[1], [0], [0], [1], [0, 0, 1, 1], [], []>, transpose_lhs_hint = false} : vector<100x20xf32>, vector<20x50xf32>, vector<100x50xf32> -> vector<100x50xf32>
    %add3A_307 = arith.addf %add3A_301, %dot_general3A_306 : vector<100x50xf32>
    %get3A_308 = arith.constant 0 : index
    %get3A_309 = arith.constant 0 : index
    %get3A_310 = vector.load %arg19[%get3A_308, %get3A_309] : memref<1x50xf32, #tpu.memory_space<vmem>>, vector<1x50xf32>
    %add3A_311 = vector.broadcast %get3A_310 : vector<1x50xf32> to vector<100x50xf32>
    %add3A_312 = arith.addf %add3A_307, %add3A_311 : vector<100x50xf32>
    %reduce_max3A = arith.constant dense<0xFF800000> : vector<100xf32>
    %reduce_max3A_313 = vector.multi_reduction <maximumf>, %add3A_312, %reduce_max3A [1] : vector<100x50xf32> to vector<100xf32>
    %broadcast_in_dim3A_314 = vector.shape_cast %reduce_max3A_313 : vector<100xf32> to vector<100x1xf32>
    %sub3A_315 = vector.broadcast %broadcast_in_dim3A_314 : vector<100x1xf32> to vector<100x50xf32>
    %sub3A_316 = arith.subf %add3A_312, %sub3A_315 : vector<100x50xf32>
    %exp3A = math.exp %sub3A_316 : vector<100x50xf32>
    %reduce_sum3A_317 = arith.constant dense<0.000000e+00> : vector<100xf32>
    %reduce_sum3A_318 = vector.multi_reduction <add>, %exp3A, %reduce_sum3A_317 [1] : vector<100x50xf32> to vector<100xf32>
    %broadcast_in_dim3A_319 = vector.shape_cast %reduce_sum3A_318 : vector<100xf32> to vector<100x1xf32>
    %div3A_320 = vector.broadcast %broadcast_in_dim3A_319 : vector<100x1xf32> to vector<100x50xf32>
    %div3A_321 = arith.divf %exp3A, %div3A_320 : vector<100x50xf32>
    %reduce_max3A_322 = arith.constant dense<0xFF800000> : vector<100xf32>
    %reduce_max3A_323 = vector.multi_reduction <maximumf>, %div3A_321, %reduce_max3A_322 [1] : vector<100x50xf32> to vector<100xf32>
    %broadcast_in_dim3A_324 = vector.shape_cast %reduce_max3A_323 : vector<100xf32> to vector<100x1xf32>
    %sub3A_325 = vector.broadcast %broadcast_in_dim3A_324 : vector<100x1xf32> to vector<100x50xf32>
    %sub3A_326 = arith.subf %div3A_321, %sub3A_325 : vector<100x50xf32>
    %exp3A_327 = math.exp %sub3A_326 : vector<100x50xf32>
    %reduce_sum3A_328 = arith.constant dense<0.000000e+00> : vector<100xf32>
    %reduce_sum3A_329 = vector.multi_reduction <add>, %exp3A_327, %reduce_sum3A_328 [1] : vector<100x50xf32> to vector<100xf32>
    %broadcast_in_dim3A_330 = vector.shape_cast %reduce_sum3A_329 : vector<100xf32> to vector<100x1xf32>
    %div3A_331 = vector.broadcast %broadcast_in_dim3A_330 : vector<100x1xf32> to vector<100x50xf32>
    %div3A_332 = arith.divf %exp3A_327, %div3A_331 : vector<100x50xf32>
    %dot_general3A_333 = arith.constant dense<0.000000e+00> : vector<50x20xf32>
    %dot_general3A_334 = tpu.matmul %div3A_332, %select_n3A_180, %dot_general3A_333 {dimension_numbers = #tpu.dot_dimension_numbers<[0], [0], [1], [1], [0, 1, 1, 1], [], []>, transpose_lhs_hint = false} : vector<100x50xf32>, vector<100x20xf32>, vector<50x20xf32> -> vector<50x20xf32>
    %lt3A_335 = arith.constant 50 : i32
    %lt3A_336 = vector.broadcast %lt3A_335 : i32 to vector<1x100xi32>
    %lt3A_337 = arith.cmpi slt, %convert_element_type3A_222, %lt3A_336 : vector<1x100xi32>
    %convert_element_type3A_338 = arith.extui %lt3A_337 : vector<1x100xi1> to vector<1x100xi32>
    %convert_element_type3A_339 = arith.sitofp %convert_element_type3A_338 : vector<1x100xi32> to vector<1x100xf32>
    %le3A = arith.cmpi sle, %iota3A, %iota3A_0 : vector<100x100xi32>
    %convert_element_type3A_340 = arith.extui %le3A : vector<100x100xi1> to vector<100x100xi32>
    %convert_element_type3A_341 = arith.sitofp %convert_element_type3A_340 : vector<100x100xi32> to vector<100x100xf32>
    %dot_general3A_342 = arith.constant dense<0.000000e+00> : vector<1x100xf32>
    %dot_general3A_343 = tpu.matmul %convert_element_type3A_339, %convert_element_type3A_341, %dot_general3A_342 {dimension_numbers = #tpu.dot_dimension_numbers<[1], [0], [0], [1], [0, 0, 1, 1], [], []>, precision = #tpu.contract_precision<fp32>, transpose_lhs_hint = false} : vector<1x100xf32>, vector<100x100xf32>, vector<1x100xf32> -> vector<1x100xf32>
    %convert_element_type3A_344 = arith.fptosi %dot_general3A_343 : vector<1x100xf32> to vector<1x100xi32>
    %sub3A_345 = arith.constant 1 : i32
    %sub3A_346 = vector.broadcast %sub3A_345 : i32 to vector<1x100xi32>
    %sub3A_347 = arith.subi %convert_element_type3A_344, %sub3A_346 : vector<1x100xi32>
    %iota3A_348 = tpu.iota {dimensions = array<i32: 0>} : vector<50x100xi32>
    %eq3A_349 = vector.broadcast %sub3A_347 : vector<1x100xi32> to vector<50x100xi32>
    %eq3A_350 = arith.cmpi eq, %eq3A_349, %iota3A_348 : vector<50x100xi32>
    %lt3A_351 = arith.constant 50 : i32
    %lt3A_352 = vector.broadcast %lt3A_351 : i32 to vector<1x100xi32>
    %lt3A_353 = arith.cmpi slt, %convert_element_type3A_222, %lt3A_352 : vector<1x100xi32>
    %and3A_354 = vector.broadcast %lt3A_353 : vector<1x100xi1> to vector<50x100xi1>
    %and3A_355 = arith.andi %eq3A_350, %and3A_354 : vector<50x100xi1>
    %convert_element_type3A_356 = arith.extui %and3A_355 : vector<50x100xi1> to vector<50x100xi32>
    %convert_element_type3A_357 = arith.sitofp %convert_element_type3A_356 : vector<50x100xi32> to vector<50x100xf32>
    %dot_general3A_358 = arith.constant dense<0.000000e+00> : vector<50x50xf32>
    %dot_general3A_359 = tpu.matmul %convert_element_type3A_357, %div3A_321, %dot_general3A_358 {dimension_numbers = #tpu.dot_dimension_numbers<[1], [0], [0], [1], [0, 0, 1, 1], [], []>, precision = #tpu.contract_precision<fp32>, transpose_lhs_hint = false} : vector<50x100xf32>, vector<100x50xf32>, vector<50x50xf32> -> vector<50x50xf32>
    %dot_general3A_360 = arith.constant dense<0.000000e+00> : vector<50x20xf32>
    %dot_general3A_361 = tpu.matmul %dot_general3A_359, %dot_general3A_334, %dot_general3A_360 {dimension_numbers = #tpu.dot_dimension_numbers<[1], [0], [0], [1], [0, 0, 1, 1], [], []>, transpose_lhs_hint = false} : vector<50x50xf32>, vector<50x20xf32>, vector<50x20xf32> -> vector<50x20xf32>
    %add3A_362 = arith.addf %mul3A_238, %dot_general3A_361 : vector<50x20xf32>
    %swap3A = arith.constant 0 : index
    %swap3A_363 = arith.constant 0 : index
    %swap3A_364 = vector.load %arg20[%swap3A, %swap3A_363] : memref<50x20xf32, #tpu.memory_space<vmem>>, vector<50x20xf32>
    tpu.vector_store %arg20[%swap3A, %swap3A_363], %add3A_362 {strides = array<i32>} : memref<50x20xf32, #tpu.memory_space<vmem>>, vector<50x20xf32>,
    return
  }
}

</mosaic_0001>

<sc_bundles>
// kernel: kernel.4.cloned.1.call-start
scs
__scs_entry_jumppad:
0x0: {  	(pc) =	sbr.rel $0x88, $3  }
0x1: {  	(tag) =	ssettag $0x0;
	lr =	simm.s32 $0x1  }
0x2: {  	[smem:$0x3F8D] =	sst lr;
	_ =	strace $0xD0000000  }
0x3: {  	_ = 	snop  }
0x4: {  	_ = 	snop  }
0x5: {  	_ = 	snop  }
0x6: {  	_ = 	snop  }
0x7: {  	_ = 	snop  }
__scs_overlays_trampoline_lowered:
0x8: {  	[smem:$0x3F9C] =	sst s0  }
0x9: {  	[smem:$0x3F9D] =	sst s1  }
0xa: {  	[smem:$0x3F9E] =	sst s2  }
0xb: {  	[smem:$0x3F9F] =	sst s3  }
0xc: {  	[smem:$0x3FA0] =	sst s4  }
0xd: {  	[smem:$0x3FA1] =	sst s5  }
0xe: {  	[smem:$0x3FA2] =	sst s6  }
0xf: {  	[smem:$0x3FA3] =	sst s7  }
0x10: {  	[smem:$0x3FA4] =	sst s8  }
0x11: {  	[smem:$0x3FA5] =	sst s9;
	s0 =	simm.s32 @!p0 $0x0  }
0x12: {  	s1 =	sld [smem:$0x3F8B];
	s0 =	simm.s32 @p0 $0x1  }
0x13: {  	[smem:$0x3FA6] =	sst s0;
	s0 =	simm.s32 @!p1 $0x0  }
0x14: {  	s2 =	sld [smem:$0x3F8A];
	s0 =	simm.s32 @p1 $0x1  }
0x15: {  	[smem:$0x3FA7] =	sst s0;
	s0 =	simm.s32 @!p2 $0x0  }
0x16: {  	s3 =	sld [smem:$0x3FDB];
	s0 =	simm.s32 @p2 $0x1  }
0x17: {  	s4 =	simm.s32 $0x1BF5;
	[smem:$0x3FA9] =	sst s0  }
0x18: {  	s0 =	sld [smem:$0x3F8C];
	_ =	swait.ge [sflag:s4], $0x0  }
0x19: {  	s7 =	sld [smem:$0x3F8D]  }
0x1a: {  	s8 =	sadd.s32 $0xFFFFE003, lr  }
0x1b: {  	s9 =	sadd.s32 $0xFFFFFEF7, lr;
	s5 =	simm.s32 $0xFFFFFFFF;
	p2 =	slt.u32 s8, $0xFFFFF086  }
0x1c: {  	p1 =	slt.u32 s9, $0xF7A;
	s5 =	simm.s32 @!p2 $0x0  }
0x1d: {  	s5 =	simm.s32 @p1 $0x1;
	p0 =	seq.s32 s7, s2  }
0x1e: {  	s7 =	smul.u32 @!p0 $0xF7A, s2;
	p2 =	seq.s32 @!p0 s5, $0x0  }
0x1f: {  	s9 =	smul.u32 $0xF7A, s1;
	s8 =	simm.s32 @!p0 $0x1BF5;
	p2 =	por !p2, p0  }
0x20: {  	[sflag:s8] =	ssyncset.s32 @!p0 $0xFFFFF086;
	s6 =	sadd.s32 @!p0 s3, s7;
	s7 =	simm.s32 @!p0 $0x108  }
0x21: {  	s3 =	sadd.s32 s3, s9;
	s6 =	sadd.s32 @!p0 $0x88, s6;
	s7 =	simm.s32 @p2 $0x1082  }
0x22: {  	[simem:s7], [sflag:s8] =	dma.local @!p0 [hbm:s6], $0xF7A  }
0x23: {  	s9 =	sor.u32 $0xD0000000, s2;
	s6 =	simm.s32 $0x108;
	_ =	swait.ge @!p0 [sflag:s8], $0x0  }
0x24: {  	s3 =	sadd.s32 $0x88, s3;
	s6 =	simm.s32 @!p1 $0x1082;
	[sflag:s4] =	ssyncset.s32 $0xFFFFF086  }
0x25: {  	[simem:s6], [sflag:s4] =	dma.local [hbm:s3], $0xF7A  }
0x26: {  	[smem:$0x3F8D] =	sst s1;
	(tag) =	ssettag s2;
	_ =	strace s9  }
0x27: {  	s1 =	sld [smem:$0x3F9D]  }
0x28: {  	s2 =	sld [smem:$0x3F9E]  }
0x29: {  	s4 =	sld [smem:$0x3FA0]  }
0x2a: {  	p0 =	seq.s32 s5, $0x0;
	s5 =	sld [smem:$0x3FA1]  }
0x2b: {  	s6 =	sld [smem:$0x3FA2]  }
0x2c: {  	s7 =	sld [smem:$0x3FA3]  }
0x2d: {  	s3 =	simm.s32 $0x108;
	s8 =	sld [smem:$0x3FA4]  }
0x2e: {  	s3 =	simm.s32 @!p0 $0x1082;
	s9 =	sld [smem:$0x3FA5]  }
0x2f: {  	lr =	sadd.s32 s0, s3;
	s0 =	sld [smem:$0x3F9C]  }
0x30: {  	s3 =	sld [smem:$0x3F9F]  }
0x31: {  	[smem:$0x3FA8] =	sst s10  }
0x32: {  	s10 =	sld [smem:$0x3FA6];
	_ =	sdelay $0x3  }
0x33: {  	p0 =	seq.s32 s10, $0x1;
	s10 =	sld [smem:$0x3FA8];
	_ =	sdelay $0x3  }
0x34: {  	[smem:$0x3FA8] =	sst s10  }
0x35: {  	s10 =	sld [smem:$0x3FA7];
	_ =	sdelay $0x3  }
0x36: {  	p1 =	seq.s32 s10, $0x1;
	s10 =	sld [smem:$0x3FA8];
	_ =	sdelay $0x3  }
0x37: {  	[smem:$0x3FA8] =	sst s10  }
0x38: {  	s10 =	sld [smem:$0x3FA9]  }
0x39: {  	_ = 	snop;
	(pc) =	sbr.ind lr, $3  }
0x3a: {  	_ = 	snop  }
0x3b: {  	_ = 	snop  }
0x3c: {  	p2 =	seq.s32 s10, $0x1;
	s10 =	sld [smem:$0x3FA8]  }
0x3d: {  	_ =	shalt  }
0x3e: {  	_ =	shalt  }
0x3f: {  	_ =	shalt  }
0x40: {  	_ =	shalt  }
0x41: {  	_ =	shalt  }
0x42: {  	_ =	shalt  }
0x43: {  	_ =	shalt  }
0x44: {  	_ =	shalt  }
0x45: {  	_ =	shalt  }
0x46: {  	_ =	shalt  }
0x47: {  	_ =	shalt  }
0x48: {  	_ =	shalt  }
0x49: {  	_ =	shalt  }
0x4a: {  	_ =	shalt  }
0x4b: {  	_ =	shalt  }
0x4c: {  	_ =	shalt  }
0x4d: {  	_ =	shalt  }
0x4e: {  	_ =	shalt  }
0x4f: {  	_ =	shalt  }
0x50: {  	_ =	shalt  }
0x51: {  	_ =	shalt  }
0x52: {  	_ =	shalt  }
0x53: {  	_ =	shalt  }
0x54: {  	_ =	shalt  }
0x55: {  	_ =	shalt  }
0x56: {  	_ =	shalt  }
0x57: {  	_ =	shalt  }
0x58: {  	_ =	shalt  }
0x59: {  	_ =	shalt  }
0x5a: {  	_ =	shalt  }
0x5b: {  	_ =	shalt  }
0x5c: {  	_ =	shalt  }
0x5d: {  	_ =	shalt  }
0x5e: {  	_ =	shalt  }
0x5f: {  	_ =	shalt  }
0x60: {  	_ =	shalt  }
0x61: {  	_ =	shalt  }
0x62: {  	_ =	shalt  }
0x63: {  	_ =	shalt  }
0x64: {  	_ =	shalt  }
0x65: {  	_ =	shalt  }
0x66: {  	_ =	shalt  }
0x67: {  	_ =	shalt  }
0x68: {  	_ =	shalt  }
0x69: {  	_ =	shalt  }
0x6a: {  	_ =	shalt  }
0x6b: {  	_ =	shalt  }
0x6c: {  	_ =	shalt  }
0x6d: {  	_ =	shalt  }
0x6e: {  	_ =	shalt  }
0x6f: {  	_ =	shalt  }
0x70: {  	_ =	shalt  }
0x71: {  	_ =	shalt  }
0x72: {  	_ =	shalt  }
0x73: {  	_ =	shalt  }
0x74: {  	_ =	shalt  }
0x75: {  	_ =	shalt  }
0x76: {  	_ =	shalt  }
0x77: {  	_ =	shalt  }
0x78: {  	_ =	shalt  }
0x79: {  	_ =	shalt  }
0x7a: {  	_ =	shalt  }
0x7b: {  	_ =	shalt  }
0x7c: {  	_ =	shalt  }
0x7d: {  	_ =	shalt  }
0x7e: {  	_ =	shalt  }
0x7f: {  	_ =	shalt  }
0x80: {  	_ =	shalt  }
0x81: {  	_ =	shalt  }
0x82: {  	_ =	shalt  }
0x83: {  	_ =	shalt  }
0x84: {  	_ =	shalt  }
0x85: {  	_ =	shalt  }
0x86: {  	_ =	shalt  }
0x87: {  	_ =	shalt  }
.Lfunc_end0:
.L_simem_size_0:
called_computation_lowered:
.L_overlay_start_0:
0x88: {  	s2 =	sld [smem:$0x3FD9]  }
0x89: {  	s3 =	sld [smem:$0x3FFE];
	_ =	sdelay $0x1  }
0x8a: {  	s1 =	srdreg.scid  }
0x8b: {  	s0 =	sand.u32 $0x1, s1  }
0x8c: {  	s17 =	sshll.u32 s0, $0xA;
	s2 =	sadd.s32 s3, s2  }
0x8d: {  	s2 =	sadd.s32 s2, s17  }
0x8e: {  	[smem:$0x3FB4] =	sst s2  }
0x8f: {  	_ = 	snop  }
0x90: {  	s2 =	sld [smem:$0x3FC8]  }
0x91: {  	s18 =	sld [smem:$0x3FC7];
	(tm) =	ssettm $0x1  }
0x92: {  	s4 =	sld [smem:$0x3FFB];
	_ =	sdelay $0x3  }
0x93: {  	_ =	strace s4  }
0x94: {  	s4 =	sld [smem:$0x3FFC];
	_ =	sdelay $0x3  }
0x95: {  	_ =	strace s4  }
0x96: {  	s4 =	sld [smem:$0x3FFD];
	_ =	sdelay $0x3  }
0x97: {  	_ =	strace s4  }
0x98: {  	_ =	strace $0x8FFFFFFF  }
0x99: {  	s19 =	sld [smem:$0x3FDB];
	_ =	sdelay $0x1  }
0x9a: {  	s5 =	simm.s32 $_scs_section_size  }
0x9b: {  	s6 =	simm.s32 $_size__tile_overlayer_lowered;
	s7 =	simm.s32 $_tile_overlayer_lowered  }
0x9c: {  	s22 =	simm.s32 $0x1BFF;
	s21 =	sshll.u32 s7, $0x1;
	s4 =	sadd.s32 s5, s19  }
0x9d: {  	s8 =	simm.s32 $0x0;
	s20 =	sshll.u32 s6, $0x1;
	s6 =	sadd.s32 s21, s4  }
0x9e: {  	[timem:s8], [sflag:s22] =	dma.local [hbm:s6], s20  }
0x9f: {  	_ =	swait.ge [sflag:s22], s20  }
0xa0: {  	s5 =	ssub.s32 $0x0, s20;
	[sflag:s22] =	ssyncset.done $0x0  }
0xa1: {  	[sflag:s22] =	ssyncadd.s32 s5;
	_ =	sdelay $0x1  }
0xa2: {  	s23 =	simm.s32 $0x1B8B  }
0xa3: {  	_ =	swait.ge [sflag:s23], $0x1  }
0xa4: {  	[sflag:s23] =	ssyncset.done $0x0  }
0xa5: {  	s25 =	simm.s32 $0x1B8E;
	s24 =	sld [smem:$0x3FFE];
	[sflag:s23] =	ssyncadd.s32 $0xFFFFFFFF  }
0xa6: {  	s26 =	simm.s32 $execute0_lowered;
	[smem:$0x3FD2] =	sst s25  }
0xa7: {  	s6 =	sshll.u32 s26, $0x1;
	_ =	strace $0x80000046;
	[dreg:$0x1] =	wrdreg $0xFFFFFFFF  }
0xa8: {  	s28 =	simm.s32 $_size_execute0_lowered;
	s4 =	sadd.s32 s4, s6;
	[dreg:$0x0] =	wrdreg $0x0  }
0xa9: {  	s6 =	sshll.u32 s28, $0x1;
	[dreg:$0x2] =	wrdreg s4  }
0xaa: {  	[dreg:$0x3] =	wrdreg s6  }
0xab: {  	[dreg:$0x4] =	wrdreg $0xC0  }
0xac: {  	_ =	task [dreg:s8], $0x5FFFF  }
0xad: {  	[dreg:$0x1] =	wrdreg $0xFFFFFFFF  }
0xae: {  	[dreg:$0x0] =	wrdreg $0x60  }
0xaf: {  	[dreg:$0x2] =	wrdreg s2  }
0xb0: {  	[dreg:$0x3] =	wrdreg s18  }
0xb1: {  	[dreg:$0x4] =	wrdreg s24  }
0xb2: {  	[dreg:$0x5] =	wrdreg $0x9  }
0xb3: {  	_ =	task.clear_ibuf [dreg:s8], $0x6FFFF;
	_ =	strace $0x90000046  }
0xb4: {  	s29 =	simm.s32 $0x9;
	_ =	strace $0x80000048  }
0xb5: {  	_ =	swait.ge [sflag:s29], $0x1  }
0xb6: {  	[sflag:s29] =	ssyncadd.s32 $0xFFFFFFFF  }
0xb7: {  	_ =	strace $0x90000048  }
0xb8: {  	_ =	sfence  }
0xb9: {  	s30 =	sld [smem:$0x0];
	_ =	sdelay $0x2  }
0xba: {  	s31 =	sshll.u32 s1, $0xD;
	s1 =	sshrl.u32 s1, $0x2  }
0xbb: {  	s3 =	sand.u32 $0x4000, s31;
	s1 =	sadd.s32 s1, s30  }
0xbc: {  	s0 =	sor.u32 s3, s0;
	s1 =	sshll.u32 s1, $0x11  }
0xbd: {  	s0 =	sor.u32 s1, s0  }
0xbe: {  	s0 =	sadd.s32 $0x8F2B, s0  }
0xbf: {  	[sflag:s0] =	ssyncadd.remote.s32 $0x1  }
0xc0: {  	_ =	sfence.sel $0xFFFF  }
0xc1: {  	[dreg:$0x0] =	wrdreg $0xFFFFFFFF;
	(pc) =	sbr.abs _section_cstart, $3  }
0xc2: {  	[dreg:$0x1] =	wrdreg $0xFFFFFFFF  }
0xc3: {  	_ =	task.clear_ibuf [dreg:s8], $0x2FFFF;
	_ =	strace $0x9FFFFFFF  }
0xc4: {  	(tm) =	ssettm $0x7FFFFFFF  }
0xc5: {  	_ =	shalt  }
tec
execute0_lowered:
.L_overlay_start_1:
0x0: {  	(tag) =	ssettag $0x1  }
0x1: {  	s1 =	rddreg [dreg:$0x0]  }
0x2: {  	s3 =	rddreg [dreg:$0x1]  }
0x3: {  	s5 =	rddreg [dreg:$0x2]  }
0x4: {  	s0 =	rddreg [dreg:$0x3]  }
0x5: {  	s6 =	srdreg.scid;
	s2 =	stileid.u32  }
0x6: {  	s4 =	simm.s32 $0x0;
	s10 =	simm.s32 $0x100;
	s11 =	simm.s32 $0x1  }
0x7: {  	s12 =	simm.s32 $0x1000;
	s13 =	simm.s32 $0x2000;
	s15 =	simm.s32 $0x3200  }
0x8: {  	s16 =	simm.s32 $0x0;
	s6 =	sand.u32 $0x1, s6;
	s7 =	sshll.u32 s2, $0x1  }
0x9: {  	[smem:$0x7FF] =	sst s4;
	s7 =	sor.u32 s6, s7;
	s6 =	ssub.s32 $0x2, s6  }
0xa: {  	_ =	strace $0x80000047;
	s8 =	sshll.u32 s7, $0x6;
	s9 =	sshrl.u32 s6, $0x1  }
0xb: {  	s14 =	sshll.u32 s7, $0x2;
	s8 =	sadd.s32 s8, s5;
	s9 =	ssub.s32 s6, s9  }
0xc: {  	s5 =	sadd.s32 $0x10, s1;
	v0 =	vmov s14;
	s14 =	simm.s32 $0x3000;
	s6 =	sadd.s32 $0x2E00, s8  }
0xd: {  	v1 =	vimm.f32 $0.0e+00;
	s7 =	sadd.s32 $0x3600, s8;
	s8 =	smax.u32 s9, $0x1;
	s9 =	simm.s32 $0x80  }
.LBB2_1:
0xe: {  	[tilespmem:s4], [sflag:$0x1] =	stream.strided.gather [hbm4b:s1+s9], $0x1000, s10, s9, $0x38;
	[tilespmem:$0x3400] =	vst v63  }
0xf: {  	_ =	swait.ge [sflag:s11], $0x1000  }
0x10: {  	[sflag:s11] =	ssyncset.done $0x0  }
0x11: {  	[sflag:s11] =	ssyncadd.s32 $0xFFFFF000  }
0x12: {  	[tilespmem:s12], [sflag:$0x1] =	stream.strided.gather [hbm4b:s5+s9], $0x1000, s10, s9, $0x38;
	[tilespmem:$0x3400] =	vst v63  }
0x13: {  	_ =	swait.ge [sflag:s11], $0x1000  }
0x14: {  	[sflag:s11] =	ssyncset.done $0x0  }
0x15: {  	[sflag:s11] =	ssyncadd.s32 $0xFFFFF000  }
0x16: {  	[tilespmem:s13], [sflag:$0x1] =	stream.linear.gather [hbm4b:s3+s4], $0x1000, $0x38;
	[tilespmem:$0x3400] =	vst v63  }
0x17: {  	_ =	swait.ge [sflag:s11], $0x1000  }
0x18: {  	[sflag:s11] =	ssyncset.done $0x0  }
0x19: {  	[sflag:s11] =	ssyncadd.s32 $0xFFFFF000  }
0x1a: {  	[tilespmem:$0x3000] =	vst v1  }
0x1b: {  	[tilespmem:$0x3200] =	vst v1  }
0x1c: {  	[tilespmem:$0x3010] =	vst v1  }
0x1d: {  	[tilespmem:$0x3210] =	vst v1  }
0x1e: {  	[tilespmem:$0x3020] =	vst v1  }
0x1f: {  	[tilespmem:$0x3220] =	vst v1  }
0x20: {  	[tilespmem:$0x3030] =	vst v1  }
0x21: {  	[tilespmem:$0x3230] =	vst v1  }
0x22: {  	[tilespmem:$0x3040] =	vst v1  }
0x23: {  	[tilespmem:$0x3240] =	vst v1  }
0x24: {  	[tilespmem:$0x3050] =	vst v1  }
0x25: {  	[tilespmem:$0x3250] =	vst v1  }
0x26: {  	[tilespmem:$0x3060] =	vst v1  }
0x27: {  	[tilespmem:$0x3260] =	vst v1  }
0x28: {  	[tilespmem:$0x3070] =	vst v1  }
0x29: {  	[tilespmem:$0x3270] =	vst v1  }
0x2a: {  	[tilespmem:$0x3080] =	vst v1  }
0x2b: {  	[tilespmem:$0x3280] =	vst v1  }
0x2c: {  	[tilespmem:$0x3090] =	vst v1  }
0x2d: {  	[tilespmem:$0x3290] =	vst v1  }
0x2e: {  	[tilespmem:$0x30A0] =	vst v1  }
0x2f: {  	[tilespmem:$0x32A0] =	vst v1  }
0x30: {  	[tilespmem:$0x30B0] =	vst v1  }
0x31: {  	[tilespmem:$0x32B0] =	vst v1  }
0x32: {  	[tilespmem:$0x30C0] =	vst v1  }
0x33: {  	[tilespmem:$0x32C0] =	vst v1  }
0x34: {  	[tilespmem:$0x30D0] =	vst v1  }
0x35: {  	[tilespmem:$0x32D0] =	vst v1  }
0x36: {  	[tilespmem:$0x30E0] =	vst v1  }
0x37: {  	[tilespmem:$0x32E0] =	vst v1  }
0x38: {  	[tilespmem:$0x30F0] =	vst v1  }
0x39: {  	[tilespmem:$0x32F0] =	vst v1  }
0x3a: {  	[tilespmem:$0x3100] =	vst v1  }
0x3b: {  	[tilespmem:$0x3300] =	vst v1  }
0x3c: {  	[tilespmem:$0x3110] =	vst v1  }
0x3d: {  	[tilespmem:$0x3310] =	vst v1  }
0x3e: {  	[tilespmem:$0x3120] =	vst v1  }
0x3f: {  	[tilespmem:$0x3320] =	vst v1  }
0x40: {  	[tilespmem:$0x3130] =	vst v1  }
0x41: {  	[tilespmem:$0x3330] =	vst v1  }
0x42: {  	[tilespmem:$0x3140] =	vst v1  }
0x43: {  	[tilespmem:$0x3340] =	vst v1  }
0x44: {  	[tilespmem:$0x3150] =	vst v1  }
0x45: {  	[tilespmem:$0x3350] =	vst v1  }
0x46: {  	[tilespmem:$0x3160] =	vst v1  }
0x47: {  	[tilespmem:$0x3360] =	vst v1  }
0x48: {  	[tilespmem:$0x3170] =	vst v1  }
0x49: {  	[tilespmem:$0x3370] =	vst v1  }
0x4a: {  	[tilespmem:$0x3180] =	vst v1  }
0x4b: {  	[tilespmem:$0x3380] =	vst v1  }
0x4c: {  	[tilespmem:$0x3190] =	vst v1  }
0x4d: {  	[tilespmem:$0x3390] =	vst v1  }
0x4e: {  	[tilespmem:$0x31A0] =	vst v1  }
0x4f: {  	[tilespmem:$0x33A0] =	vst v1  }
0x50: {  	[tilespmem:$0x31B0] =	vst v1  }
0x51: {  	[tilespmem:$0x33B0] =	vst v1  }
0x52: {  	[tilespmem:$0x31C0] =	vst v1  }
0x53: {  	[tilespmem:$0x33C0] =	vst v1  }
0x54: {  	[tilespmem:$0x31D0] =	vst v1  }
0x55: {  	[tilespmem:$0x33D0] =	vst v1  }
0x56: {  	[tilespmem:$0x31E0] =	vst v1  }
0x57: {  	[tilespmem:$0x33E0] =	vst v1  }
0x58: {  	[tilespmem:$0x31F0] =	vst v1  }
0x59: {  	s19 =	simm.s32 $0x0;
	[tilespmem:$0x33F0] =	vst v1  }
0x5a: {  	v2 =	vld [tilespmem:s19+$0x1000];
	_ =	sdelay $0x4  }
0x5b: {  	s17 =	simm.s32 $0x10;
	v3 =	vld [tilespmem:s19+$0x0];
	v2 =	vsub.s32 v2, v0  }
0x5c: {  	v5 =	vld [tilespmem:s17+$0x1000];
	vm0 =	vgt.s32 v2, $0x0  }
0x5d: {  	v4 =	vnsel vm0, $0x0, v2  }
0x5e: {  	v4 =	vmin.u32 v4, $0x3  }
0x5f: {  	v6 =	vshll.u32 v4, $0x7;
	v4 =	vld [tilespmem:s19+$0x2000]  }
0x60: {  	s18 =	simm.s32 $0x80;
	v3 =	vadd.s32 v3, v6  }
.LBB2_2:
0x61: {  	s19 =	sshra.s32 s18, $0x2;
	v6 =	vld [tilespmem:s17+$0x0];
	v7 =	vsub.s32 v5, v0;
	p0 =	sne.s32 s18, $0x3E40  }
.Ltmp0:
0x62: {  	s18 =	sadd.s32 $0x40, s18;
	v5 =	vld [tilespmem:s19+$0x1000];
	vm0 =	vgt.s32 v7, $0x0;
	(pc) =	sbr.rel @p0 .LBB2_2-.Ltmp0, $4  }
0x63: {  	v8 =	vnsel vm0, $0x0, v7;
	vm0 =	vlt.u32 v2, $0x4;
	v2 =	vmov v7  }
0x64: {  	v7 =	vmin.u32 v8, $0x3;
	v8 =	vnsel vm0, $0x0, v4;
	v4 =	vld [tilespmem:s17+$0x2000];
	s17 =	smov.u32 s19  }
0x65: {  	v7 =	vshll.u32 v7, $0x7;
	[tilespmem:v3+s14+$0x0] =	vst.idx.add.f32.msk $0xffff, v8;
	v8 =	vsel vm0, $0x3F800000, v1  }
0x66: {  	[tilespmem:v3+s15+$0x0] =	vst.idx.add.f32.msk $0xffff, v8;
	v3 =	vadd.s32 v6, v7  }
0x67: {  	v6 =	vld [tilespmem:s17+$0x0];
	v5 =	vsub.s32 v5, v0  }
0x68: {  	vm0 =	vgt.s32 v5, $0x0  }
0x69: {  	v7 =	vnsel vm0, $0x0, v5  }
0x6a: {  	v7 =	vmin.u32 v7, $0x3  }
0x6b: {  	v8 =	vld [tilespmem:s17+$0x2000];
	v7 =	vshll.u32 v7, $0x7  }
0x6c: {  	v6 =	vadd.s32 v6, v7  }
0x6d: {  	vm14 =	vlt.u32 v2, $0x4  }
0x6e: {  	v2 =	vnsel vm14, $0x0, v4  }
0x6f: {  	vm15 =	vlt.u32 v5, $0x4;
	[tilespmem:v3+s14+$0x0] =	vst.idx.add.f32.msk $0xffff, v2;
	v2 =	vsel vm14, $0x3F800000, v1  }
0x70: {  	[tilespmem:v3+s15+$0x0] =	vst.idx.add.f32.msk $0xffff, v2;
	v2 =	vnsel vm15, $0x0, v8  }
0x71: {  	[tilespmem:v6+s14+$0x0] =	vst.idx.add.f32.msk $0xffff, v2;
	v2 =	vsel vm15, $0x3F800000, v1  }
0x72: {  	[tilespmem:v6+s15+$0x0] =	vst.idx.add.f32.msk $0xffff, v2  }
0x73: {  	[hbm4b:s6+s4] =	stream.linear.scatter [tilespmem:s14], [sflag:$0x1], $0x200, $0x38;
	[tilespmem:$0x3400] =	vst v63  }
0x74: {  	s16 =	sadd.s32 $0x1, s16;
	_ =	swait.ge [sflag:s11], $0x200  }
0x75: {  	p0 =	sne.s32 s16, s8;
	[sflag:s11] =	ssyncset.done $0x0  }
.Ltmp1:
0x76: {  	[sflag:s11] =	ssyncadd.s32 $0xFFFFFE00;
	(pc) =	sbr.rel @p0 .LBB2_1-.Ltmp1, $4  }
0x77: {  	[hbm4b:s7+s4] =	stream.linear.scatter [tilespmem:s15], [sflag:$0x1], $0x200, $0x38;
	[tilespmem:$0x3400] =	vst v63  }
0x78: {  	_ =	swait.ge [sflag:s11], $0x200  }
0x79: {  	[sflag:s11] =	ssyncset.done $0x0  }
0x7a: {  	[sflag:s11] =	ssyncadd.s32 $0xFFFFFE00  }
0x7b: {  	_ =	sfence.sel $0x180000  }
0x7c: {  	[bflag:$0x0] =	sbarrier.arrive $0xFFFF  }
0x7d: {  	p0 =	sne.s32 s2, $0x0;
	_ =	strace $0x90000047  }
0x7e: {  	s0 =	sadd.s32 @!p0 $0x100000, s0;
	[bflag:$0x2] =	sbarrier.arrive $0xFFFF  }
0x7f: {  	[sflag:s0] =	ssyncadd.tile.s32 @!p0 $0x1;
	_ =	shalt  }
.Lfunc_end2:
_tile_overlayer_lowered:
.L_overlay_start_2:
0x80: {  	(tag) =	ssettag $0x2  }
0x81: {  	s0 =	rddreg [dreg:$0x0];
	s2 =	stileid.u32  }
0x82: {  	s1 =	rddreg [dreg:$0x1];
	p0 =	sne.s32 s2, $0x0  }
0x83: {  	s3 =	rddreg [dreg:$0x2];
	[bflag:$0x3] =	sbarrier.arrive $0xFFFF;
	s2 =	simm.s32 @!p0 $0x1C01  }
0x84: {  	[timem:s3], [sflag:s2] =	dma.local @!p0 [hbm:s0], s1  }
0x85: {  	s0 =	simm.s32 @!p0 $0x1  }
0x86: {  	_ =	swait.ge @!p0 [sflag:s0], s1  }
0x87: {  	s1 =	ssub.s32 @!p0 $0x0, s1;
	[sflag:s0] =	ssyncset.done @!p0 $0x0  }
0x88: {  	[sflag:s0] =	ssyncadd.s32 @!p0 s1  }
0x89: {  	[bflag:$0x3] =	sbarrier.arrive $0xFFFF  }
0x8a: {  	_ =	shalt  }

</sc_bundles>
